<compile_context>
chip_gen: v7x
topology: tpu7x:2x2x1
jax: 0.10.2.dev20260603
libtpu: 0.0.44.dev20260713+nightly
codegen_flags: <defaults>
</compile_context>

<pallas_src>
import functools

import jax
import jax.numpy as jnp
from jax import lax
from jax.experimental import pallas as pl
from jax.experimental.pallas import tpu as pltpu
from jax.experimental.pallas import tpu_sc as plsc

N = 10000
D = 128
E = 320000
NC = 2
NS = 16
NW = NC * NS
CH = 128
EW = E // NW
KF = EW // CH
TAIL = EW - KF * CH
N_PAD = 10240
RT = N_PAD // NS

def _sc_deg_body(ei_hbm, ones_hbm, z1_hbm, deg_out, deg_sh,
                 dstv, onesv, semA, semB):
    cid = lax.axis_index("c")
    sid = lax.axis_index("s")
    w = cid * NS + sid
    pltpu.sync_copy(z1_hbm, deg_sh.at[pl.ds(sid * RT, RT)])
    pltpu.sync_copy(ones_hbm, onesv)
    pltpu.sync_copy(ei_hbm.at[pl.ds(E + w * EW, EW)], dstv)
    plsc.subcore_barrier()

    def sc(j, sem):
        return pltpu.async_copy(
            onesv, deg_sh.at[dstv.at[pl.ds(j * CH, CH)]], sem, add=True)

    def scw(j, sem):
        pltpu.make_async_copy(
            onesv, deg_sh.at[dstv.at[pl.ds(j * CH, CH)]], sem).wait()

    sc(0, semA)

    def body(i, c):
        j = 2 * i
        sc(j + 1, semB)
        scw(j, semA)

        @pl.when(j + 2 < KF)
        def _():
            sc(j + 2, semA)

        scw(j + 1, semB)
        return c

    lax.fori_loop(0, KF // 2, body, 0)
    pltpu.sync_copy(onesv.at[pl.ds(0, TAIL)],
                    deg_sh.at[dstv.at[pl.ds(KF * CH, TAIL)]], add=True)
    plsc.subcore_barrier()
    pltpu.sync_copy(deg_sh.at[pl.ds(sid * RT, RT)],
                    deg_out.at[cid, pl.ds(sid * RT, RT)])


@functools.cache
def _get_sc_deg():
    mesh = plsc.VectorSubcoreMesh(core_axis_name="c", subcore_axis_name="s")
    return pl.kernel(
        _sc_deg_body,
        out_type=jax.ShapeDtypeStruct((NC, N_PAD), jnp.float32),
        mesh=mesh,
        scratch_types=[
            pltpu.VMEM_SHARED((N_PAD,), jnp.float32),
            pltpu.VMEM((EW,), jnp.int32),
            pltpu.VMEM((CH,), jnp.float32),
            pltpu.SemaphoreType.DMA,
            pltpu.SemaphoreType.DMA,
        ],
    )


def _sc_edge_body(y_hbm, ei_hbm, zr_hbm, acc_out,
                  acc_sh, srcv, dstv0, dstv1, dtail, rows0, rows1,
                  sem0, sem1, semd0, semd1):
    cid = lax.axis_index("c")
    sid = lax.axis_index("s")
    w = cid * NS + sid
    pltpu.sync_copy(zr_hbm, acc_sh.at[pl.ds(sid * RT, RT)])
    pltpu.sync_copy(ei_hbm.at[pl.ds(w * EW, EW)], srcv)
    plsc.subcore_barrier()
    base0 = w * EW

    def g(j, rows, sem):
        return pltpu.async_copy(y_hbm.at[srcv.at[pl.ds(j * CH, CH)]],
                                rows, sem)

    def dld(j, dstv, semd):
        return pltpu.async_copy(ei_hbm.at[pl.ds(E + base0 + j * CH, CH)],
                                dstv, semd)

    def retire(j, rows, sem, dstv, semd):
        pltpu.make_async_copy(y_hbm.at[srcv.at[pl.ds(j * CH, CH)]],
                              rows, sem).wait()
        pltpu.make_async_copy(ei_hbm.at[pl.ds(E + base0 + j * CH, CH)],
                              dstv, semd).wait()
        pltpu.sync_copy(rows, acc_sh.at[dstv], add=True)

    dld(0, dstv0, semd0)
    g(0, rows0, sem0)

    def body(i, c):
        j = 2 * i
        dld(j + 1, dstv1, semd1)
        g(j + 1, rows1, sem1)
        retire(j, rows0, sem0, dstv0, semd0)

        @pl.when(j + 2 < KF)
        def _():
            dld(j + 2, dstv0, semd0)
            g(j + 2, rows0, sem0)

        retire(j + 1, rows1, sem1, dstv1, semd1)
        return c

    lax.fori_loop(0, KF // 2, body, 0)
    pltpu.sync_copy(ei_hbm.at[pl.ds(E + base0 + KF * CH, TAIL)], dtail)
    pltpu.sync_copy(y_hbm.at[srcv.at[pl.ds(KF * CH, TAIL)]],
                    rows0.at[pl.ds(0, TAIL)])
    pltpu.sync_copy(rows0.at[pl.ds(0, TAIL)], acc_sh.at[dtail], add=True)

    plsc.subcore_barrier()
    pltpu.sync_copy(acc_sh.at[pl.ds(sid * RT, RT)],
                    acc_out.at[cid, pl.ds(sid * RT, RT)])


@functools.cache
def _get_sc_edge():
    mesh = plsc.VectorSubcoreMesh(core_axis_name="c", subcore_axis_name="s")
    return pl.kernel(
        _sc_edge_body,
        out_type=jax.ShapeDtypeStruct((NC, N_PAD, D), jnp.float32),
        mesh=mesh,
        scratch_types=[
            pltpu.VMEM_SHARED((N_PAD, D), jnp.float32),
            pltpu.VMEM((EW,), jnp.int32),
            pltpu.VMEM((CH,), jnp.int32),
            pltpu.VMEM((CH,), jnp.int32),
            pltpu.VMEM((TAIL,), jnp.int32),
            pltpu.VMEM((CH, D), jnp.float32),
            pltpu.VMEM((CH, D), jnp.float32),
            pltpu.SemaphoreType.DMA,
            pltpu.SemaphoreType.DMA,
            pltpu.SemaphoreType.DMA,
            pltpu.SemaphoreType.DMA,
        ],
    )


_BN = 1000


def _tc_y1_body(d0_ref, d1_ref, x_ref, w_ref, y_ref, dinv_ref):
    deg = d0_ref[...] + d1_ref[...] + 1.0
    dinv = lax.rsqrt(deg)
    xw = jnp.dot(x_ref[...], w_ref[...], preferred_element_type=jnp.float32)
    y_ref[...] = dinv * xw
    dinv_ref[...] = dinv


def _tc_y1(d0, d1, x, w):
    return pl.pallas_call(
        _tc_y1_body,
        grid=(N // _BN,),
        in_specs=[
            pl.BlockSpec((_BN, 1), lambda i: (i, 0)),
            pl.BlockSpec((_BN, 1), lambda i: (i, 0)),
            pl.BlockSpec((_BN, D), lambda i: (i, 0)),
            pl.BlockSpec((D, D), lambda i: (0, 0)),
        ],
        out_specs=[
            pl.BlockSpec((_BN, D), lambda i: (i, 0)),
            pl.BlockSpec((_BN, 1), lambda i: (i, 0)),
        ],
        out_shape=[
            jax.ShapeDtypeStruct((N, D), jnp.float32),
            jax.ShapeDtypeStruct((N, 1), jnp.float32),
        ],
    )(d0, d1, x, w)


def _tc_mid_body(a_ref, y_ref, dinv_ref, b_ref, w_ref, y2_ref):
    dinv = dinv_ref[...]
    h = b_ref[...] + dinv * (a_ref[0] + a_ref[1] + y_ref[...])
    h = jnp.maximum(h, 0.0)
    y2_ref[...] = dinv * jnp.dot(h, w_ref[...],
                                 preferred_element_type=jnp.float32)


def _tc_mid(accp, y1, dinv, b, w):
    return pl.pallas_call(
        _tc_mid_body,
        grid=(N // _BN,),
        in_specs=[
            pl.BlockSpec((NC, _BN, D), lambda i: (0, i, 0)),
            pl.BlockSpec((_BN, D), lambda i: (i, 0)),
            pl.BlockSpec((_BN, 1), lambda i: (i, 0)),
            pl.BlockSpec((1, D), lambda i: (0, 0)),
            pl.BlockSpec((D, D), lambda i: (0, 0)),
        ],
        out_specs=pl.BlockSpec((_BN, D), lambda i: (i, 0)),
        out_shape=jax.ShapeDtypeStruct((N, D), jnp.float32),
    )(accp, y1, dinv, b, w)


def _tc_final_body(a_ref, y_ref, dinv_ref, b_ref, wfc_ref, bfc_ref,
                   out_ref, g_ref):
    i = pl.program_id(0)
    h = b_ref[...] + dinv_ref[...] * (a_ref[0] + a_ref[1] + y_ref[...])
    h = jnp.maximum(h, 0.0)

    @pl.when(i == 0)
    def _():
        g_ref[...] = jnp.zeros_like(g_ref)

    g_ref[...] += jnp.sum(h, axis=0, keepdims=True)

    @pl.when(i == N // _BN - 1)
    def _():
        g = g_ref[...] * (1.0 / N)
        out_ref[...] = jnp.dot(g, wfc_ref[...],
                               preferred_element_type=jnp.float32) + bfc_ref[...]


def _tc_final(accp, y2, dinv, b, wfc, bfc):
    return pl.pallas_call(
        _tc_final_body,
        grid=(N // _BN,),
        in_specs=[
            pl.BlockSpec((NC, _BN, D), lambda i: (0, i, 0)),
            pl.BlockSpec((_BN, D), lambda i: (i, 0)),
            pl.BlockSpec((_BN, 1), lambda i: (i, 0)),
            pl.BlockSpec((1, D), lambda i: (0, 0)),
            pl.BlockSpec((D, D), lambda i: (0, 0)),
            pl.BlockSpec((1, D), lambda i: (0, 0)),
        ],
        out_specs=pl.BlockSpec((1, D), lambda i: (0, 0)),
        out_shape=jax.ShapeDtypeStruct((1, D), jnp.float32),
        scratch_shapes=[pltpu.VMEM((1, D), jnp.float32)],
    )(accp, y2, dinv, b, wfc, bfc)


def kernel(x, edge_index, W1, b1, W2, b2, Wfc, bfc):
    ei = edge_index.reshape(2 * E)
    ones_ch = jnp.ones((CH,), jnp.float32)
    z1 = jnp.zeros((RT,), jnp.float32)
    zr = jnp.zeros((RT, D), jnp.float32)

    degp = _get_sc_deg()(ei, ones_ch, z1)
    d0 = degp[0, :N].reshape(N, 1)
    d1 = degp[1, :N].reshape(N, 1)

    y1, dinv = _tc_y1(d0, d1, x, W1)

    accp = _get_sc_edge()(y1, ei, zr)
    y2 = _tc_mid(accp, y1, dinv, b1.reshape(1, D), W2)

    accp2 = _get_sc_edge()(y2, ei, zr)
    out = _tc_final(accp2, y2, dinv, b2.reshape(1, D), Wfc, bfc.reshape(1, D))
    return out.reshape(D)

# --- scband reference (transcript-rebuilt; emitter-appended) ---
"""Pipeline reference for scband-gnnmodel-33449205301450 (READ-ONLY COPY).

The authoritative reference and input builder live on the scoring server;
editing this copy changes nothing except your own understanding.
"""

import jax, jax.numpy as jnp
import numpy as np

N = 10000
E = 320000
D_IN = 128
D_H = 128
D_OUT = 128


def _gcn_layer(x, src, dst, W, b, n_nodes):
    # add self-loops
    loop = jnp.arange(n_nodes, dtype=src.dtype)
    src_l = jnp.concatenate([src, loop])
    dst_l = jnp.concatenate([dst, loop])
    # linear transform first (standard GCNConv)
    xw = x @ W
    # symmetric normalization D^{-1/2} A_hat D^{-1/2}
    ones = jnp.ones(src_l.shape[0], dtype=x.dtype)
    deg = jax.ops.segment_sum(ones, dst_l, num_segments=n_nodes)
    dinv = jnp.where(deg > 0, jax.lax.rsqrt(deg), 0.0)
    norm = dinv[src_l] * dinv[dst_l]
    # gather messages from source nodes, scale, scatter-add to destinations
    msg = xw[src_l] * norm[:, None]
    out = jax.ops.segment_sum(msg, dst_l, num_segments=n_nodes)
    return out + b


def setup_inputs(seed: int = 0) -> dict:
    key = jax.random.key(seed)
    ks = jax.random.split(key, 8)
    x = jax.random.normal(ks[0], (N, D_IN), dtype=jnp.float32)
    edge_index = jax.random.randint(ks[1], (2, E), 0, N, dtype=jnp.int32)
    W1 = jax.random.normal(ks[2], (D_IN, D_H), dtype=jnp.float32) * (1.0 / np.sqrt(D_IN))
    b1 = jnp.zeros((D_H,), dtype=jnp.float32)
    W2 = jax.random.normal(ks[3], (D_H, D_H), dtype=jnp.float32) * (1.0 / np.sqrt(D_H))
    b2 = jnp.zeros((D_H,), dtype=jnp.float32)
    Wfc = jax.random.normal(ks[4], (D_H, D_OUT), dtype=jnp.float32) * (1.0 / np.sqrt(D_H))
    bfc = jnp.zeros((D_OUT,), dtype=jnp.float32)
    return {"x": x, "edge_index": edge_index, "W1": W1, "b1": b1, "W2": W2, "b2": b2, "Wfc": Wfc, "bfc": bfc}


def reference(x, edge_index, W1, b1, W2, b2, Wfc, bfc):
    src = edge_index[0]
    dst = edge_index[1]
    h = _gcn_layer(x, src, dst, W1, b1, N)
    h = jax.nn.relu(h)
    h = _gcn_layer(h, src, dst, W2, b2, N)
    h = jax.nn.relu(h)
    # F.dropout(training=self.training): identity in eval mode
    g = jnp.mean(h, axis=0)
    out = g @ Wfc + bfc
    return out

if __name__ == "__main__":
    import jax
    _d = setup_inputs()
    print(jax.jit(kernel)(*tuple(_d.values())))

</pallas_src>

<mosaic_0001>
#map = affine_map<(d0, d1) -> (0, 0)>
#map1 = affine_map<(d0, d1) -> (0)>
#map2 = affine_map<(d0, d1) -> (0, 0, 0)>
module attributes {stable_mosaic.version = 14 : i64} {
  func.func @_sc_edge_body(%arg0: i32, %arg1: i32, %arg2: memref<10000x128xf32, #tpu.memory_space<hbm>>, %arg3: memref<640000xi32, #tpu.memory_space<hbm>>, %arg4: memref<640x128xf32, #tpu.memory_space<hbm>>, %arg5: memref<2x10240x128xf32, #tpu.memory_space<hbm>>, %arg6: memref<10240x128xf32, #tpu.memory_space<vmem_shared>>, %arg7: memref<10000xi32, #tpu.memory_space<vmem>>, %arg8: memref<128xi32, #tpu.memory_space<vmem>>, %arg9: memref<128xi32, #tpu.memory_space<vmem>>, %arg10: memref<16xi32, #tpu.memory_space<vmem>>, %arg11: memref<128x128xf32, #tpu.memory_space<vmem>>, %arg12: memref<128x128xf32, #tpu.memory_space<vmem>>, %arg13: memref<!tpu.dma_semaphore, #tpu.memory_space<semaphore_mem>>, %arg14: memref<!tpu.dma_semaphore, #tpu.memory_space<semaphore_mem>>, %arg15: memref<!tpu.dma_semaphore, #tpu.memory_space<semaphore_mem>>, %arg16: memref<!tpu.dma_semaphore, #tpu.memory_space<semaphore_mem>>) attributes {dimension_semantics = [#tpu.dimension_semantics<core_parallel>, #tpu.dimension_semantics<subcore_parallel>], iteration_bounds = array<i64: 2, 16>, scalar_prefetch = 0 : i64, scratch_operands = 11 : i64, tpu.core_type = #tpu.core_type<sc_vector_subcore>, window_params = [{transform_indices = #map}, {transform_indices = #map1}, {transform_indices = #map}, {transform_indices = #map2}]} {
    %mul3A = arith.constant 16 : i32
    %mul3A_0 = arith.muli %arg0, %mul3A : i32
    %add3A = arith.addi %mul3A_0, %arg1 : i32
    %mul3A_1 = arith.constant 640 : i32
    %mul3A_2 = arith.muli %arg1, %mul3A_1 : i32
    "tpu.region"() ({
      %run_scoped3A = tpu.sem_alloc : memref<!tpu.dma_semaphore, #tpu.memory_space<semaphore_mem>>
      %dma_start3A_31 = arith.constant 0 : i32
      %dma_start3A_32 = tpu.memref_slice %arg6[%mul3A_2, %dma_start3A_31] : memref<10240x128xf32, #tpu.memory_space<vmem_shared>> -> memref<640x128xf32, #tpu.memory_space<vmem_shared>>
      tpu.enqueue_dma source(%arg4 : memref<640x128xf32, #tpu.memory_space<hbm>>) target(%dma_start3A_32 : memref<640x128xf32, #tpu.memory_space<vmem_shared>>) target_semaphore(%run_scoped3A : memref<!tpu.dma_semaphore, #tpu.memory_space<semaphore_mem>>)
      %dma_wait3A = arith.constant 0 : i32
      %dma_wait3A_33 = tpu.memref_slice %arg6[%mul3A_2, %dma_wait3A] : memref<10240x128xf32, #tpu.memory_space<vmem_shared>> -> memref<640x128xf32, #tpu.memory_space<vmem_shared>>
      tpu.wait_dma2 semaphore(%run_scoped3A : memref<!tpu.dma_semaphore, #tpu.memory_space<semaphore_mem>>) src(%arg4 : memref<640x128xf32, #tpu.memory_space<hbm>>) dst(%dma_wait3A_33 : memref<640x128xf32, #tpu.memory_space<vmem_shared>>)
      tpu.yield
    }) : () -> ()
    %mul3A_3 = arith.constant 10000 : i32
    %mul3A_4 = arith.muli %add3A, %mul3A_3 : i32
    "tpu.region"() ({
      %run_scoped3A = tpu.sem_alloc : memref<!tpu.dma_semaphore, #tpu.memory_space<semaphore_mem>>
      %dma_start3A_31 = tpu.memref_slice %arg3[%mul3A_4] : memref<640000xi32, #tpu.memory_space<hbm>> -> memref<10000xi32, #tpu.memory_space<hbm>>
      %dma_start3A_32 = tpu.memref_slice %arg3[%mul3A_4] : memref<640000xi32, #tpu.memory_space<hbm>> -> memref<10000xi32, #tpu.memory_space<hbm>>
      tpu.enqueue_dma source(%dma_start3A_32 : memref<10000xi32, #tpu.memory_space<hbm>>) target(%arg7 : memref<10000xi32, #tpu.memory_space<vmem>>) target_semaphore(%run_scoped3A : memref<!tpu.dma_semaphore, #tpu.memory_space<semaphore_mem>>)
      %dma_wait3A = tpu.memref_slice %arg3[%mul3A_4] : memref<640000xi32, #tpu.memory_space<hbm>> -> memref<10000xi32, #tpu.memory_space<hbm>>
      %dma_wait3A_33 = tpu.memref_slice %arg3[%mul3A_4] : memref<640000xi32, #tpu.memory_space<hbm>> -> memref<10000xi32, #tpu.memory_space<hbm>>
      tpu.wait_dma2 semaphore(%run_scoped3A : memref<!tpu.dma_semaphore, #tpu.memory_space<semaphore_mem>>) src(%dma_wait3A_33 : memref<10000xi32, #tpu.memory_space<hbm>>) dst(%arg7 : memref<10000xi32, #tpu.memory_space<vmem>>)
      tpu.yield
    }) : () -> ()
    %barrier3A = arith.constant 0 : index
    tpu.barrier barrier_id(%barrier3A)
    %mul3A_5 = arith.constant 10000 : i32
    %mul3A_6 = arith.muli %add3A, %mul3A_5 : i32
    %add3A_7 = arith.constant 320000 : i32
    %add3A_8 = arith.addi %add3A_7, %mul3A_6 : i32
    %add3A_9 = arith.constant 0 : i32
    %add3A_10 = arith.addi %add3A_8, %add3A_9 : i32
    %dma_start3A = tpu.memref_slice %arg3[%add3A_10] : memref<640000xi32, #tpu.memory_space<hbm>> -> memref<128xi32, #tpu.memory_space<hbm>>
    %dma_start3A_11 = tpu.memref_slice %arg3[%add3A_10] : memref<640000xi32, #tpu.memory_space<hbm>> -> memref<128xi32, #tpu.memory_space<hbm>>
    tpu.enqueue_dma source(%dma_start3A_11 : memref<128xi32, #tpu.memory_space<hbm>>) target(%arg8 : memref<128xi32, #tpu.memory_space<vmem>>) target_semaphore(%arg15 : memref<!tpu.dma_semaphore, #tpu.memory_space<semaphore_mem>>)
    %dma_start3A_12 = arith.constant 0 : i32
    %dma_start3A_13 = tpu.memref_slice %arg7[%dma_start3A_12] : memref<10000xi32, #tpu.memory_space<vmem>> -> memref<128xi32, #tpu.memory_space<vmem>>
    %dma_start3A_14 = arith.constant 0 : i32
    %dma_start3A_15 = arith.constant 0 : i32
    %dma_start3A_16 = tpu.memref_slice %arg2[%dma_start3A_14, %dma_start3A_15] : memref<10000x128xf32, #tpu.memory_space<hbm>> -> memref<10000x128xf32, #tpu.memory_space<hbm>>
    tpu.enqueue_indirect_dma source(%dma_start3A_16 : memref<10000x128xf32, #tpu.memory_space<hbm>>) target(%arg11 : memref<128x128xf32, #tpu.memory_space<vmem>>) offsets(%dma_start3A_13 : memref<128xi32, #tpu.memory_space<vmem>>) semaphore(%arg13 : memref<!tpu.dma_semaphore, #tpu.memory_space<semaphore_mem>>)
    %scan3A = arith.constant 0 : i32
    %scan3A_17 = arith.constant 0 : i32
    %scan3A_18 = arith.constant 39 : i32
    %scan3A_19 = arith.addi %scan3A_17, %scan3A_18 : i32
    %scan3A_20 = arith.constant 1 : i32
    scf.for %scan3A_31 = %scan3A_17 to %scan3A_19 step %scan3A_20  : i32 {
      %mul3A_32 = arith.constant 2 : i32
      %mul3A_33 = arith.muli %mul3A_32, %scan3A_31 : i32
      %add3A_34 = arith.constant 1 : i32
      %add3A_35 = arith.addi %mul3A_33, %add3A_34 : i32
      %add3A_36 = arith.constant 320000 : i32
      %add3A_37 = arith.addi %add3A_36, %mul3A_6 : i32
      %mul3A_38 = arith.constant 128 : i32
      %mul3A_39 = arith.muli %add3A_35, %mul3A_38 : i32
      %add3A_40 = arith.addi %add3A_37, %mul3A_39 : i32
      %dma_start3A_41 = tpu.memref_slice %arg3[%add3A_40] : memref<640000xi32, #tpu.memory_space<hbm>> -> memref<128xi32, #tpu.memory_space<hbm>>
      %dma_start3A_42 = tpu.memref_slice %arg3[%add3A_40] : memref<640000xi32, #tpu.memory_space<hbm>> -> memref<128xi32, #tpu.memory_space<hbm>>
      tpu.enqueue_dma source(%dma_start3A_42 : memref<128xi32, #tpu.memory_space<hbm>>) target(%arg9 : memref<128xi32, #tpu.memory_space<vmem>>) target_semaphore(%arg16 : memref<!tpu.dma_semaphore, #tpu.memory_space<semaphore_mem>>)
      %add3A_43 = arith.constant 1 : i32
      %add3A_44 = arith.addi %mul3A_33, %add3A_43 : i32
      %mul3A_45 = arith.constant 128 : i32
      %mul3A_46 = arith.muli %add3A_44, %mul3A_45 : i32
      %dma_start3A_47 = tpu.memref_slice %arg7[%mul3A_46] : memref<10000xi32, #tpu.memory_space<vmem>> -> memref<128xi32, #tpu.memory_space<vmem>>
      %dma_start3A_48 = arith.constant 0 : i32
      %dma_start3A_49 = arith.constant 0 : i32
      %dma_start3A_50 = tpu.memref_slice %arg2[%dma_start3A_48, %dma_start3A_49] : memref<10000x128xf32, #tpu.memory_space<hbm>> -> memref<10000x128xf32, #tpu.memory_space<hbm>>
      tpu.enqueue_indirect_dma source(%dma_start3A_50 : memref<10000x128xf32, #tpu.memory_space<hbm>>) target(%arg12 : memref<128x128xf32, #tpu.memory_space<vmem>>) offsets(%dma_start3A_47 : memref<128xi32, #tpu.memory_space<vmem>>) semaphore(%arg14 : memref<!tpu.dma_semaphore, #tpu.memory_space<semaphore_mem>>)
      %mul3A_51 = arith.constant 128 : i32
      %mul3A_52 = arith.muli %mul3A_33, %mul3A_51 : i32
      %dma_wait3A = tpu.memref_slice %arg7[%mul3A_52] : memref<10000xi32, #tpu.memory_space<vmem>> -> memref<128xi32, #tpu.memory_space<vmem>>
      %dma_wait3A_53 = arith.constant 0 : i32
      %dma_wait3A_54 = arith.constant 0 : i32
      %dma_wait3A_55 = tpu.memref_slice %arg2[%dma_wait3A_53, %dma_wait3A_54] : memref<10000x128xf32, #tpu.memory_space<hbm>> -> memref<10000x128xf32, #tpu.memory_space<hbm>>
      tpu.wait_indirect_dma semaphore(%arg13 : memref<!tpu.dma_semaphore, #tpu.memory_space<semaphore_mem>>) src(%dma_wait3A_55 : memref<10000x128xf32, #tpu.memory_space<hbm>>) dst(%arg11 : memref<128x128xf32, #tpu.memory_space<vmem>>)
      %add3A_56 = arith.constant 320000 : i32
      %add3A_57 = arith.addi %add3A_56, %mul3A_6 : i32
      %mul3A_58 = arith.constant 128 : i32
      %mul3A_59 = arith.muli %mul3A_33, %mul3A_58 : i32
      %add3A_60 = arith.addi %add3A_57, %mul3A_59 : i32
      %dma_wait3A_61 = tpu.memref_slice %arg3[%add3A_60] : memref<640000xi32, #tpu.memory_space<hbm>> -> memref<128xi32, #tpu.memory_space<hbm>>
      %dma_wait3A_62 = tpu.memref_slice %arg3[%add3A_60] : memref<640000xi32, #tpu.memory_space<hbm>> -> memref<128xi32, #tpu.memory_space<hbm>>
      tpu.wait_dma2 semaphore(%arg15 : memref<!tpu.dma_semaphore, #tpu.memory_space<semaphore_mem>>) src(%dma_wait3A_62 : memref<128xi32, #tpu.memory_space<hbm>>) dst(%arg8 : memref<128xi32, #tpu.memory_space<vmem>>)
      "tpu.region"() ({
        %run_scoped3A = tpu.sem_alloc : memref<!tpu.dma_semaphore, #tpu.memory_space<semaphore_mem>>
        %dma_start3A_82 = arith.constant 0 : i32
        %dma_start3A_83 = arith.constant 0 : i32
        %dma_start3A_84 = tpu.memref_slice %arg6[%dma_start3A_82, %dma_start3A_83] : memref<10240x128xf32, #tpu.memory_space<vmem_shared>> -> memref<10240x128xf32, #tpu.memory_space<vmem_shared>>
        tpu.enqueue_indirect_dma source(%arg11 : memref<128x128xf32, #tpu.memory_space<vmem>>) target(%dma_start3A_84 : memref<10240x128xf32, #tpu.memory_space<vmem_shared>>) offsets(%arg8 : memref<128xi32, #tpu.memory_space<vmem>>) semaphore(%run_scoped3A : memref<!tpu.dma_semaphore, #tpu.memory_space<semaphore_mem>>) {add = true}
        %dma_wait3A_85 = arith.constant 0 : i32
        %dma_wait3A_86 = arith.constant 0 : i32
        %dma_wait3A_87 = tpu.memref_slice %arg6[%dma_wait3A_85, %dma_wait3A_86] : memref<10240x128xf32, #tpu.memory_space<vmem_shared>> -> memref<10240x128xf32, #tpu.memory_space<vmem_shared>>
        tpu.wait_indirect_dma semaphore(%run_scoped3A : memref<!tpu.dma_semaphore, #tpu.memory_space<semaphore_mem>>) src(%arg11 : memref<128x128xf32, #tpu.memory_space<vmem>>) dst(%dma_wait3A_87 : memref<10240x128xf32, #tpu.memory_space<vmem_shared>>)
        tpu.yield
      }) : () -> ()
      %add3A_63 = arith.constant 2 : i32
      %add3A_64 = arith.addi %mul3A_33, %add3A_63 : i32
      %lt3A = arith.constant 78 : i32
      %lt3A_65 = arith.cmpi slt, %add3A_64, %lt3A : i32
      %convert_element_type3A = arith.extui %lt3A_65 : i1 to i32
      %cond3A = arith.constant 0 : i32
      %cond3A_66 = arith.cmpi ne, %convert_element_type3A, %cond3A : i32
      scf.if %cond3A_66 {
        %add3A_82 = arith.constant 2 : i32
        %add3A_83 = arith.addi %mul3A_33, %add3A_82 : i32
        %add3A_84 = arith.constant 320000 : i32
        %add3A_85 = arith.addi %add3A_84, %mul3A_6 : i32
        %mul3A_86 = arith.constant 128 : i32
        %mul3A_87 = arith.muli %add3A_83, %mul3A_86 : i32
        %add3A_88 = arith.addi %add3A_85, %mul3A_87 : i32
        %dma_start3A_89 = tpu.memref_slice %arg3[%add3A_88] : memref<640000xi32, #tpu.memory_space<hbm>> -> memref<128xi32, #tpu.memory_space<hbm>>
        %dma_start3A_90 = tpu.memref_slice %arg3[%add3A_88] : memref<640000xi32, #tpu.memory_space<hbm>> -> memref<128xi32, #tpu.memory_space<hbm>>
        tpu.enqueue_dma source(%dma_start3A_90 : memref<128xi32, #tpu.memory_space<hbm>>) target(%arg8 : memref<128xi32, #tpu.memory_space<vmem>>) target_semaphore(%arg15 : memref<!tpu.dma_semaphore, #tpu.memory_space<semaphore_mem>>)
        %add3A_91 = arith.constant 2 : i32
        %add3A_92 = arith.addi %mul3A_33, %add3A_91 : i32
        %mul3A_93 = arith.constant 128 : i32
        %mul3A_94 = arith.muli %add3A_92, %mul3A_93 : i32
        %dma_start3A_95 = tpu.memref_slice %arg7[%mul3A_94] : memref<10000xi32, #tpu.memory_space<vmem>> -> memref<128xi32, #tpu.memory_space<vmem>>
        %dma_start3A_96 = arith.constant 0 : i32
        %dma_start3A_97 = arith.constant 0 : i32
        %dma_start3A_98 = tpu.memref_slice %arg2[%dma_start3A_96, %dma_start3A_97] : memref<10000x128xf32, #tpu.memory_space<hbm>> -> memref<10000x128xf32, #tpu.memory_space<hbm>>
        tpu.enqueue_indirect_dma source(%dma_start3A_98 : memref<10000x128xf32, #tpu.memory_space<hbm>>) target(%arg11 : memref<128x128xf32, #tpu.memory_space<vmem>>) offsets(%dma_start3A_95 : memref<128xi32, #tpu.memory_space<vmem>>) semaphore(%arg13 : memref<!tpu.dma_semaphore, #tpu.memory_space<semaphore_mem>>)
      } else {
      }
      %add3A_67 = arith.constant 1 : i32
      %add3A_68 = arith.addi %mul3A_33, %add3A_67 : i32
      %mul3A_69 = arith.constant 128 : i32
      %mul3A_70 = arith.muli %add3A_68, %mul3A_69 : i32
      %dma_wait3A_71 = tpu.memref_slice %arg7[%mul3A_70] : memref<10000xi32, #tpu.memory_space<vmem>> -> memref<128xi32, #tpu.memory_space<vmem>>
      %dma_wait3A_72 = arith.constant 0 : i32
      %dma_wait3A_73 = arith.constant 0 : i32
      %dma_wait3A_74 = tpu.memref_slice %arg2[%dma_wait3A_72, %dma_wait3A_73] : memref<10000x128xf32, #tpu.memory_space<hbm>> -> memref<10000x128xf32, #tpu.memory_space<hbm>>
      tpu.wait_indirect_dma semaphore(%arg14 : memref<!tpu.dma_semaphore, #tpu.memory_space<semaphore_mem>>) src(%dma_wait3A_74 : memref<10000x128xf32, #tpu.memory_space<hbm>>) dst(%arg12 : memref<128x128xf32, #tpu.memory_space<vmem>>)
      %add3A_75 = arith.constant 320000 : i32
      %add3A_76 = arith.addi %add3A_75, %mul3A_6 : i32
      %mul3A_77 = arith.constant 128 : i32
      %mul3A_78 = arith.muli %add3A_68, %mul3A_77 : i32
      %add3A_79 = arith.addi %add3A_76, %mul3A_78 : i32
      %dma_wait3A_80 = tpu.memref_slice %arg3[%add3A_79] : memref<640000xi32, #tpu.memory_space<hbm>> -> memref<128xi32, #tpu.memory_space<hbm>>
      %dma_wait3A_81 = tpu.memref_slice %arg3[%add3A_79] : memref<640000xi32, #tpu.memory_space<hbm>> -> memref<128xi32, #tpu.memory_space<hbm>>
      tpu.wait_dma2 semaphore(%arg16 : memref<!tpu.dma_semaphore, #tpu.memory_space<semaphore_mem>>) src(%dma_wait3A_81 : memref<128xi32, #tpu.memory_space<hbm>>) dst(%arg9 : memref<128xi32, #tpu.memory_space<vmem>>)
      "tpu.region"() ({
        %run_scoped3A = tpu.sem_alloc : memref<!tpu.dma_semaphore, #tpu.memory_space<semaphore_mem>>
        %dma_start3A_82 = arith.constant 0 : i32
        %dma_start3A_83 = arith.constant 0 : i32
        %dma_start3A_84 = tpu.memref_slice %arg6[%dma_start3A_82, %dma_start3A_83] : memref<10240x128xf32, #tpu.memory_space<vmem_shared>> -> memref<10240x128xf32, #tpu.memory_space<vmem_shared>>
        tpu.enqueue_indirect_dma source(%arg12 : memref<128x128xf32, #tpu.memory_space<vmem>>) target(%dma_start3A_84 : memref<10240x128xf32, #tpu.memory_space<vmem_shared>>) offsets(%arg9 : memref<128xi32, #tpu.memory_space<vmem>>) semaphore(%run_scoped3A : memref<!tpu.dma_semaphore, #tpu.memory_space<semaphore_mem>>) {add = true}
        %dma_wait3A_85 = arith.constant 0 : i32
        %dma_wait3A_86 = arith.constant 0 : i32
        %dma_wait3A_87 = tpu.memref_slice %arg6[%dma_wait3A_85, %dma_wait3A_86] : memref<10240x128xf32, #tpu.memory_space<vmem_shared>> -> memref<10240x128xf32, #tpu.memory_space<vmem_shared>>
        tpu.wait_indirect_dma semaphore(%run_scoped3A : memref<!tpu.dma_semaphore, #tpu.memory_space<semaphore_mem>>) src(%arg12 : memref<128x128xf32, #tpu.memory_space<vmem>>) dst(%dma_wait3A_87 : memref<10240x128xf32, #tpu.memory_space<vmem_shared>>)
        tpu.yield
      }) : () -> ()
    }
    %scan3A_21 = arith.constant 39 : i32
    %add3A_22 = arith.constant 320000 : i32
    %add3A_23 = arith.addi %add3A_22, %mul3A_6 : i32
    %add3A_24 = arith.constant 9984 : i32
    %add3A_25 = arith.addi %add3A_23, %add3A_24 : i32
    "tpu.region"() ({
      %run_scoped3A = tpu.sem_alloc : memref<!tpu.dma_semaphore, #tpu.memory_space<semaphore_mem>>
      %dma_start3A_31 = tpu.memref_slice %arg3[%add3A_25] : memref<640000xi32, #tpu.memory_space<hbm>> -> memref<16xi32, #tpu.memory_space<hbm>>
      %dma_start3A_32 = tpu.memref_slice %arg3[%add3A_25] : memref<640000xi32, #tpu.memory_space<hbm>> -> memref<16xi32, #tpu.memory_space<hbm>>
      tpu.enqueue_dma source(%dma_start3A_32 : memref<16xi32, #tpu.memory_space<hbm>>) target(%arg10 : memref<16xi32, #tpu.memory_space<vmem>>) target_semaphore(%run_scoped3A : memref<!tpu.dma_semaphore, #tpu.memory_space<semaphore_mem>>)
      %dma_wait3A = tpu.memref_slice %arg3[%add3A_25] : memref<640000xi32, #tpu.memory_space<hbm>> -> memref<16xi32, #tpu.memory_space<hbm>>
      %dma_wait3A_33 = tpu.memref_slice %arg3[%add3A_25] : memref<640000xi32, #tpu.memory_space<hbm>> -> memref<16xi32, #tpu.memory_space<hbm>>
      tpu.wait_dma2 semaphore(%run_scoped3A : memref<!tpu.dma_semaphore, #tpu.memory_space<semaphore_mem>>) src(%dma_wait3A_33 : memref<16xi32, #tpu.memory_space<hbm>>) dst(%arg10 : memref<16xi32, #tpu.memory_space<vmem>>)
      tpu.yield
    }) : () -> ()
    "tpu.region"() ({
      %run_scoped3A = tpu.sem_alloc : memref<!tpu.dma_semaphore, #tpu.memory_space<semaphore_mem>>
      %dma_start3A_31 = arith.constant 0 : i32
      %dma_start3A_32 = arith.constant 0 : i32
      %dma_start3A_33 = tpu.memref_slice %arg11[%dma_start3A_31, %dma_start3A_32] : memref<128x128xf32, #tpu.memory_space<vmem>> -> memref<16x128xf32, #tpu.memory_space<vmem>>
      %dma_start3A_34 = arith.constant 9984 : i32
      %dma_start3A_35 = tpu.memref_slice %arg7[%dma_start3A_34] : memref<10000xi32, #tpu.memory_space<vmem>> -> memref<16xi32, #tpu.memory_space<vmem>>
      %dma_start3A_36 = arith.constant 0 : i32
      %dma_start3A_37 = arith.constant 0 : i32
      %dma_start3A_38 = tpu.memref_slice %arg2[%dma_start3A_36, %dma_start3A_37] : memref<10000x128xf32, #tpu.memory_space<hbm>> -> memref<10000x128xf32, #tpu.memory_space<hbm>>
      tpu.enqueue_indirect_dma source(%dma_start3A_38 : memref<10000x128xf32, #tpu.memory_space<hbm>>) target(%dma_start3A_33 : memref<16x128xf32, #tpu.memory_space<vmem>>) offsets(%dma_start3A_35 : memref<16xi32, #tpu.memory_space<vmem>>) semaphore(%run_scoped3A : memref<!tpu.dma_semaphore, #tpu.memory_space<semaphore_mem>>)
      %dma_wait3A = arith.constant 0 : i32
      %dma_wait3A_39 = arith.constant 0 : i32
      %dma_wait3A_40 = tpu.memref_slice %arg11[%dma_wait3A, %dma_wait3A_39] : memref<128x128xf32, #tpu.memory_space<vmem>> -> memref<16x128xf32, #tpu.memory_space<vmem>>
      %dma_wait3A_41 = arith.constant 9984 : i32
      %dma_wait3A_42 = tpu.memref_slice %arg7[%dma_wait3A_41] : memref<10000xi32, #tpu.memory_space<vmem>> -> memref<16xi32, #tpu.memory_space<vmem>>
      %dma_wait3A_43 = arith.constant 0 : i32
      %dma_wait3A_44 = arith.constant 0 : i32
      %dma_wait3A_45 = tpu.memref_slice %arg2[%dma_wait3A_43, %dma_wait3A_44] : memref<10000x128xf32, #tpu.memory_space<hbm>> -> memref<10000x128xf32, #tpu.memory_space<hbm>>
      tpu.wait_indirect_dma semaphore(%run_scoped3A : memref<!tpu.dma_semaphore, #tpu.memory_space<semaphore_mem>>) src(%dma_wait3A_45 : memref<10000x128xf32, #tpu.memory_space<hbm>>) dst(%dma_wait3A_40 : memref<16x128xf32, #tpu.memory_space<vmem>>)
      tpu.yield
    }) : () -> ()
    "tpu.region"() ({
      %run_scoped3A = tpu.sem_alloc : memref<!tpu.dma_semaphore, #tpu.memory_space<semaphore_mem>>
      %dma_start3A_31 = arith.constant 0 : i32
      %dma_start3A_32 = arith.constant 0 : i32
      %dma_start3A_33 = tpu.memref_slice %arg11[%dma_start3A_31, %dma_start3A_32] : memref<128x128xf32, #tpu.memory_space<vmem>> -> memref<16x128xf32, #tpu.memory_space<vmem>>
      %dma_start3A_34 = arith.constant 0 : i32
      %dma_start3A_35 = arith.constant 0 : i32
      %dma_start3A_36 = tpu.memref_slice %arg6[%dma_start3A_34, %dma_start3A_35] : memref<10240x128xf32, #tpu.memory_space<vmem_shared>> -> memref<10240x128xf32, #tpu.memory_space<vmem_shared>>
      tpu.enqueue_indirect_dma source(%dma_start3A_33 : memref<16x128xf32, #tpu.memory_space<vmem>>) target(%dma_start3A_36 : memref<10240x128xf32, #tpu.memory_space<vmem_shared>>) offsets(%arg10 : memref<16xi32, #tpu.memory_space<vmem>>) semaphore(%run_scoped3A : memref<!tpu.dma_semaphore, #tpu.memory_space<semaphore_mem>>) {add = true}
      %dma_wait3A = arith.constant 0 : i32
      %dma_wait3A_37 = arith.constant 0 : i32
      %dma_wait3A_38 = tpu.memref_slice %arg11[%dma_wait3A, %dma_wait3A_37] : memref<128x128xf32, #tpu.memory_space<vmem>> -> memref<16x128xf32, #tpu.memory_space<vmem>>
      %dma_wait3A_39 = arith.constant 0 : i32
      %dma_wait3A_40 = arith.constant 0 : i32
      %dma_wait3A_41 = tpu.memref_slice %arg6[%dma_wait3A_39, %dma_wait3A_40] : memref<10240x128xf32, #tpu.memory_space<vmem_shared>> -> memref<10240x128xf32, #tpu.memory_space<vmem_shared>>
      tpu.wait_indirect_dma semaphore(%run_scoped3A : memref<!tpu.dma_semaphore, #tpu.memory_space<semaphore_mem>>) src(%dma_wait3A_38 : memref<16x128xf32, #tpu.memory_space<vmem>>) dst(%dma_wait3A_41 : memref<10240x128xf32, #tpu.memory_space<vmem_shared>>)
      tpu.yield
    }) : () -> ()
    %barrier3A_26 = arith.constant 0 : index
    tpu.barrier barrier_id(%barrier3A_26)
    %mul3A_27 = arith.constant 640 : i32
    %mul3A_28 = arith.muli %arg1, %mul3A_27 : i32
    %mul3A_29 = arith.constant 640 : i32
    %mul3A_30 = arith.muli %arg1, %mul3A_29 : i32
    "tpu.region"() ({
      %run_scoped3A = tpu.sem_alloc : memref<!tpu.dma_semaphore, #tpu.memory_space<semaphore_mem>>
      %dma_start3A_31 = arith.constant 0 : i32
      %dma_start3A_32 = tpu.memref_slice %arg5[%arg0, %mul3A_30, %dma_start3A_31] : memref<2x10240x128xf32, #tpu.memory_space<hbm>> -> memref<1x640x128xf32, #tpu.memory_space<hbm>>
      %dma_start3A_33 = tpu.memref_squeeze %dma_start3A_32 : memref<1x640x128xf32, #tpu.memory_space<hbm>> -> memref<640x128xf32, #tpu.memory_space<hbm>>
      %dma_start3A_34 = arith.constant 0 : i32
      %dma_start3A_35 = tpu.memref_slice %arg6[%mul3A_28, %dma_start3A_34] : memref<10240x128xf32, #tpu.memory_space<vmem_shared>> -> memref<640x128xf32, #tpu.memory_space<vmem_shared>>
      tpu.enqueue_dma source(%dma_start3A_35 : memref<640x128xf32, #tpu.memory_space<vmem_shared>>) target(%dma_start3A_33 : memref<640x128xf32, #tpu.memory_space<hbm>>) target_semaphore(%run_scoped3A : memref<!tpu.dma_semaphore, #tpu.memory_space<semaphore_mem>>)
      %dma_wait3A = arith.constant 0 : i32
      %dma_wait3A_36 = tpu.memref_slice %arg5[%arg0, %mul3A_30, %dma_wait3A] : memref<2x10240x128xf32, #tpu.memory_space<hbm>> -> memref<1x640x128xf32, #tpu.memory_space<hbm>>
      %dma_wait3A_37 = tpu.memref_squeeze %dma_wait3A_36 : memref<1x640x128xf32, #tpu.memory_space<hbm>> -> memref<640x128xf32, #tpu.memory_space<hbm>>
      %dma_wait3A_38 = arith.constant 0 : i32
      %dma_wait3A_39 = tpu.memref_slice %arg6[%mul3A_28, %dma_wait3A_38] : memref<10240x128xf32, #tpu.memory_space<vmem_shared>> -> memref<640x128xf32, #tpu.memory_space<vmem_shared>>
      tpu.wait_dma2 semaphore(%run_scoped3A : memref<!tpu.dma_semaphore, #tpu.memory_space<semaphore_mem>>) src(%dma_wait3A_39 : memref<640x128xf32, #tpu.memory_space<vmem_shared>>) dst(%dma_wait3A_37 : memref<640x128xf32, #tpu.memory_space<hbm>>)
      tpu.yield
    }) : () -> ()
    return
  }
}

#map = affine_map<(d0, d1) -> (0, 0)>
#map1 = affine_map<(d0, d1) -> (0)>
#map2 = affine_map<(d0, d1) -> (0, 0, 0)>
module attributes {stable_mosaic.version = 14 : i64} {
  func.func @_sc_edge_body(%arg0: i32, %arg1: i32, %arg2: memref<10000x128xf32, #tpu.memory_space<hbm>>, %arg3: memref<640000xi32, #tpu.memory_space<hbm>>, %arg4: memref<640x128xf32, #tpu.memory_space<hbm>>, %arg5: memref<2x10240x128xf32, #tpu.memory_space<hbm>>, %arg6: memref<10240x128xf32, #tpu.memory_space<vmem_shared>>, %arg7: memref<10000xi32, #tpu.memory_space<vmem>>, %arg8: memref<128xi32, #tpu.memory_space<vmem>>, %arg9: memref<128xi32, #tpu.memory_space<vmem>>, %arg10: memref<16xi32, #tpu.memory_space<vmem>>, %arg11: memref<128x128xf32, #tpu.memory_space<vmem>>, %arg12: memref<128x128xf32, #tpu.memory_space<vmem>>, %arg13: memref<!tpu.dma_semaphore, #tpu.memory_space<semaphore_mem>>, %arg14: memref<!tpu.dma_semaphore, #tpu.memory_space<semaphore_mem>>, %arg15: memref<!tpu.dma_semaphore, #tpu.memory_space<semaphore_mem>>, %arg16: memref<!tpu.dma_semaphore, #tpu.memory_space<semaphore_mem>>) attributes {dimension_semantics = [#tpu.dimension_semantics<core_parallel>, #tpu.dimension_semantics<subcore_parallel>], iteration_bounds = array<i64: 2, 16>, scalar_prefetch = 0 : i64, scratch_operands = 11 : i64, tpu.core_type = #tpu.core_type<sc_vector_subcore>, window_params = [{transform_indices = #map}, {transform_indices = #map1}, {transform_indices = #map}, {transform_indices = #map2}]} {
    %mul3A = arith.constant 16 : i32
    %mul3A_0 = arith.muli %arg0, %mul3A : i32
    %add3A = arith.addi %mul3A_0, %arg1 : i32
    %mul3A_1 = arith.constant 640 : i32
    %mul3A_2 = arith.muli %arg1, %mul3A_1 : i32
    "tpu.region"() ({
      %run_scoped3A = tpu.sem_alloc : memref<!tpu.dma_semaphore, #tpu.memory_space<semaphore_mem>>
      %dma_start3A_31 = arith.constant 0 : i32
      %dma_start3A_32 = tpu.memref_slice %arg6[%mul3A_2, %dma_start3A_31] : memref<10240x128xf32, #tpu.memory_space<vmem_shared>> -> memref<640x128xf32, #tpu.memory_space<vmem_shared>>
      tpu.enqueue_dma source(%arg4 : memref<640x128xf32, #tpu.memory_space<hbm>>) target(%dma_start3A_32 : memref<640x128xf32, #tpu.memory_space<vmem_shared>>) target_semaphore(%run_scoped3A : memref<!tpu.dma_semaphore, #tpu.memory_space<semaphore_mem>>)
      %dma_wait3A = arith.constant 0 : i32
      %dma_wait3A_33 = tpu.memref_slice %arg6[%mul3A_2, %dma_wait3A] : memref<10240x128xf32, #tpu.memory_space<vmem_shared>> -> memref<640x128xf32, #tpu.memory_space<vmem_shared>>
      tpu.wait_dma2 semaphore(%run_scoped3A : memref<!tpu.dma_semaphore, #tpu.memory_space<semaphore_mem>>) src(%arg4 : memref<640x128xf32, #tpu.memory_space<hbm>>) dst(%dma_wait3A_33 : memref<640x128xf32, #tpu.memory_space<vmem_shared>>)
      tpu.yield
    }) : () -> ()
    %mul3A_3 = arith.constant 10000 : i32
    %mul3A_4 = arith.muli %add3A, %mul3A_3 : i32
    "tpu.region"() ({
      %run_scoped3A = tpu.sem_alloc : memref<!tpu.dma_semaphore, #tpu.memory_space<semaphore_mem>>
      %dma_start3A_31 = tpu.memref_slice %arg3[%mul3A_4] : memref<640000xi32, #tpu.memory_space<hbm>> -> memref<10000xi32, #tpu.memory_space<hbm>>
      %dma_start3A_32 = tpu.memref_slice %arg3[%mul3A_4] : memref<640000xi32, #tpu.memory_space<hbm>> -> memref<10000xi32, #tpu.memory_space<hbm>>
      tpu.enqueue_dma source(%dma_start3A_32 : memref<10000xi32, #tpu.memory_space<hbm>>) target(%arg7 : memref<10000xi32, #tpu.memory_space<vmem>>) target_semaphore(%run_scoped3A : memref<!tpu.dma_semaphore, #tpu.memory_space<semaphore_mem>>)
      %dma_wait3A = tpu.memref_slice %arg3[%mul3A_4] : memref<640000xi32, #tpu.memory_space<hbm>> -> memref<10000xi32, #tpu.memory_space<hbm>>
      %dma_wait3A_33 = tpu.memref_slice %arg3[%mul3A_4] : memref<640000xi32, #tpu.memory_space<hbm>> -> memref<10000xi32, #tpu.memory_space<hbm>>
      tpu.wait_dma2 semaphore(%run_scoped3A : memref<!tpu.dma_semaphore, #tpu.memory_space<semaphore_mem>>) src(%dma_wait3A_33 : memref<10000xi32, #tpu.memory_space<hbm>>) dst(%arg7 : memref<10000xi32, #tpu.memory_space<vmem>>)
      tpu.yield
    }) : () -> ()
    %barrier3A = arith.constant 0 : index
    tpu.barrier barrier_id(%barrier3A)
    %mul3A_5 = arith.constant 10000 : i32
    %mul3A_6 = arith.muli %add3A, %mul3A_5 : i32
    %add3A_7 = arith.constant 320000 : i32
    %add3A_8 = arith.addi %add3A_7, %mul3A_6 : i32
    %add3A_9 = arith.constant 0 : i32
    %add3A_10 = arith.addi %add3A_8, %add3A_9 : i32
    %dma_start3A = tpu.memref_slice %arg3[%add3A_10] : memref<640000xi32, #tpu.memory_space<hbm>> -> memref<128xi32, #tpu.memory_space<hbm>>
    %dma_start3A_11 = tpu.memref_slice %arg3[%add3A_10] : memref<640000xi32, #tpu.memory_space<hbm>> -> memref<128xi32, #tpu.memory_space<hbm>>
    tpu.enqueue_dma source(%dma_start3A_11 : memref<128xi32, #tpu.memory_space<hbm>>) target(%arg8 : memref<128xi32, #tpu.memory_space<vmem>>) target_semaphore(%arg15 : memref<!tpu.dma_semaphore, #tpu.memory_space<semaphore_mem>>)
    %dma_start3A_12 = arith.constant 0 : i32
    %dma_start3A_13 = tpu.memref_slice %arg7[%dma_start3A_12] : memref<10000xi32, #tpu.memory_space<vmem>> -> memref<128xi32, #tpu.memory_space<vmem>>
    %dma_start3A_14 = arith.constant 0 : i32
    %dma_start3A_15 = arith.constant 0 : i32
    %dma_start3A_16 = tpu.memref_slice %arg2[%dma_start3A_14, %dma_start3A_15] : memref<10000x128xf32, #tpu.memory_space<hbm>> -> memref<10000x128xf32, #tpu.memory_space<hbm>>
    tpu.enqueue_indirect_dma source(%dma_start3A_16 : memref<10000x128xf32, #tpu.memory_space<hbm>>) target(%arg11 : memref<128x128xf32, #tpu.memory_space<vmem>>) offsets(%dma_start3A_13 : memref<128xi32, #tpu.memory_space<vmem>>) semaphore(%arg13 : memref<!tpu.dma_semaphore, #tpu.memory_space<semaphore_mem>>)
    %scan3A = arith.constant 0 : i32
    %scan3A_17 = arith.constant 0 : i32
    %scan3A_18 = arith.constant 39 : i32
    %scan3A_19 = arith.addi %scan3A_17, %scan3A_18 : i32
    %scan3A_20 = arith.constant 1 : i32
    scf.for %scan3A_31 = %scan3A_17 to %scan3A_19 step %scan3A_20  : i32 {
      %mul3A_32 = arith.constant 2 : i32
      %mul3A_33 = arith.muli %mul3A_32, %scan3A_31 : i32
      %add3A_34 = arith.constant 1 : i32
      %add3A_35 = arith.addi %mul3A_33, %add3A_34 : i32
      %add3A_36 = arith.constant 320000 : i32
      %add3A_37 = arith.addi %add3A_36, %mul3A_6 : i32
      %mul3A_38 = arith.constant 128 : i32
      %mul3A_39 = arith.muli %add3A_35, %mul3A_38 : i32
      %add3A_40 = arith.addi %add3A_37, %mul3A_39 : i32
      %dma_start3A_41 = tpu.memref_slice %arg3[%add3A_40] : memref<640000xi32, #tpu.memory_space<hbm>> -> memref<128xi32, #tpu.memory_space<hbm>>
      %dma_start3A_42 = tpu.memref_slice %arg3[%add3A_40] : memref<640000xi32, #tpu.memory_space<hbm>> -> memref<128xi32, #tpu.memory_space<hbm>>
      tpu.enqueue_dma source(%dma_start3A_42 : memref<128xi32, #tpu.memory_space<hbm>>) target(%arg9 : memref<128xi32, #tpu.memory_space<vmem>>) target_semaphore(%arg16 : memref<!tpu.dma_semaphore, #tpu.memory_space<semaphore_mem>>)
      %add3A_43 = arith.constant 1 : i32
      %add3A_44 = arith.addi %mul3A_33, %add3A_43 : i32
      %mul3A_45 = arith.constant 128 : i32
      %mul3A_46 = arith.muli %add3A_44, %mul3A_45 : i32
      %dma_start3A_47 = tpu.memref_slice %arg7[%mul3A_46] : memref<10000xi32, #tpu.memory_space<vmem>> -> memref<128xi32, #tpu.memory_space<vmem>>
      %dma_start3A_48 = arith.constant 0 : i32
      %dma_start3A_49 = arith.constant 0 : i32
      %dma_start3A_50 = tpu.memref_slice %arg2[%dma_start3A_48, %dma_start3A_49] : memref<10000x128xf32, #tpu.memory_space<hbm>> -> memref<10000x128xf32, #tpu.memory_space<hbm>>
      tpu.enqueue_indirect_dma source(%dma_start3A_50 : memref<10000x128xf32, #tpu.memory_space<hbm>>) target(%arg12 : memref<128x128xf32, #tpu.memory_space<vmem>>) offsets(%dma_start3A_47 : memref<128xi32, #tpu.memory_space<vmem>>) semaphore(%arg14 : memref<!tpu.dma_semaphore, #tpu.memory_space<semaphore_mem>>)
      %mul3A_51 = arith.constant 128 : i32
      %mul3A_52 = arith.muli %mul3A_33, %mul3A_51 : i32
      %dma_wait3A = tpu.memref_slice %arg7[%mul3A_52] : memref<10000xi32, #tpu.memory_space<vmem>> -> memref<128xi32, #tpu.memory_space<vmem>>
      %dma_wait3A_53 = arith.constant 0 : i32
      %dma_wait3A_54 = arith.constant 0 : i32
      %dma_wait3A_55 = tpu.memref_slice %arg2[%dma_wait3A_53, %dma_wait3A_54] : memref<10000x128xf32, #tpu.memory_space<hbm>> -> memref<10000x128xf32, #tpu.memory_space<hbm>>
      tpu.wait_indirect_dma semaphore(%arg13 : memref<!tpu.dma_semaphore, #tpu.memory_space<semaphore_mem>>) src(%dma_wait3A_55 : memref<10000x128xf32, #tpu.memory_space<hbm>>) dst(%arg11 : memref<128x128xf32, #tpu.memory_space<vmem>>)
      %add3A_56 = arith.constant 320000 : i32
      %add3A_57 = arith.addi %add3A_56, %mul3A_6 : i32
      %mul3A_58 = arith.constant 128 : i32
      %mul3A_59 = arith.muli %mul3A_33, %mul3A_58 : i32
      %add3A_60 = arith.addi %add3A_57, %mul3A_59 : i32
      %dma_wait3A_61 = tpu.memref_slice %arg3[%add3A_60] : memref<640000xi32, #tpu.memory_space<hbm>> -> memref<128xi32, #tpu.memory_space<hbm>>
      %dma_wait3A_62 = tpu.memref_slice %arg3[%add3A_60] : memref<640000xi32, #tpu.memory_space<hbm>> -> memref<128xi32, #tpu.memory_space<hbm>>
      tpu.wait_dma2 semaphore(%arg15 : memref<!tpu.dma_semaphore, #tpu.memory_space<semaphore_mem>>) src(%dma_wait3A_62 : memref<128xi32, #tpu.memory_space<hbm>>) dst(%arg8 : memref<128xi32, #tpu.memory_space<vmem>>)
      "tpu.region"() ({
        %run_scoped3A = tpu.sem_alloc : memref<!tpu.dma_semaphore, #tpu.memory_space<semaphore_mem>>
        %dma_start3A_82 = arith.constant 0 : i32
        %dma_start3A_83 = arith.constant 0 : i32
        %dma_start3A_84 = tpu.memref_slice %arg6[%dma_start3A_82, %dma_start3A_83] : memref<10240x128xf32, #tpu.memory_space<vmem_shared>> -> memref<10240x128xf32, #tpu.memory_space<vmem_shared>>
        tpu.enqueue_indirect_dma source(%arg11 : memref<128x128xf32, #tpu.memory_space<vmem>>) target(%dma_start3A_84 : memref<10240x128xf32, #tpu.memory_space<vmem_shared>>) offsets(%arg8 : memref<128xi32, #tpu.memory_space<vmem>>) semaphore(%run_scoped3A : memref<!tpu.dma_semaphore, #tpu.memory_space<semaphore_mem>>) {add = true}
        %dma_wait3A_85 = arith.constant 0 : i32
        %dma_wait3A_86 = arith.constant 0 : i32
        %dma_wait3A_87 = tpu.memref_slice %arg6[%dma_wait3A_85, %dma_wait3A_86] : memref<10240x128xf32, #tpu.memory_space<vmem_shared>> -> memref<10240x128xf32, #tpu.memory_space<vmem_shared>>
        tpu.wait_indirect_dma semaphore(%run_scoped3A : memref<!tpu.dma_semaphore, #tpu.memory_space<semaphore_mem>>) src(%arg11 : memref<128x128xf32, #tpu.memory_space<vmem>>) dst(%dma_wait3A_87 : memref<10240x128xf32, #tpu.memory_space<vmem_shared>>)
        tpu.yield
      }) : () -> ()
      %add3A_63 = arith.constant 2 : i32
      %add3A_64 = arith.addi %mul3A_33, %add3A_63 : i32
      %lt3A = arith.constant 78 : i32
      %lt3A_65 = arith.cmpi slt, %add3A_64, %lt3A : i32
      %convert_element_type3A = arith.extui %lt3A_65 : i1 to i32
      %cond3A = arith.constant 0 : i32
      %cond3A_66 = arith.cmpi ne, %convert_element_type3A, %cond3A : i32
      scf.if %cond3A_66 {
        %add3A_82 = arith.constant 2 : i32
        %add3A_83 = arith.addi %mul3A_33, %add3A_82 : i32
        %add3A_84 = arith.constant 320000 : i32
        %add3A_85 = arith.addi %add3A_84, %mul3A_6 : i32
        %mul3A_86 = arith.constant 128 : i32
        %mul3A_87 = arith.muli %add3A_83, %mul3A_86 : i32
        %add3A_88 = arith.addi %add3A_85, %mul3A_87 : i32
        %dma_start3A_89 = tpu.memref_slice %arg3[%add3A_88] : memref<640000xi32, #tpu.memory_space<hbm>> -> memref<128xi32, #tpu.memory_space<hbm>>
        %dma_start3A_90 = tpu.memref_slice %arg3[%add3A_88] : memref<640000xi32, #tpu.memory_space<hbm>> -> memref<128xi32, #tpu.memory_space<hbm>>
        tpu.enqueue_dma source(%dma_start3A_90 : memref<128xi32, #tpu.memory_space<hbm>>) target(%arg8 : memref<128xi32, #tpu.memory_space<vmem>>) target_semaphore(%arg15 : memref<!tpu.dma_semaphore, #tpu.memory_space<semaphore_mem>>)
        %add3A_91 = arith.constant 2 : i32
        %add3A_92 = arith.addi %mul3A_33, %add3A_91 : i32
        %mul3A_93 = arith.constant 128 : i32
        %mul3A_94 = arith.muli %add3A_92, %mul3A_93 : i32
        %dma_start3A_95 = tpu.memref_slice %arg7[%mul3A_94] : memref<10000xi32, #tpu.memory_space<vmem>> -> memref<128xi32, #tpu.memory_space<vmem>>
        %dma_start3A_96 = arith.constant 0 : i32
        %dma_start3A_97 = arith.constant 0 : i32
        %dma_start3A_98 = tpu.memref_slice %arg2[%dma_start3A_96, %dma_start3A_97] : memref<10000x128xf32, #tpu.memory_space<hbm>> -> memref<10000x128xf32, #tpu.memory_space<hbm>>
        tpu.enqueue_indirect_dma source(%dma_start3A_98 : memref<10000x128xf32, #tpu.memory_space<hbm>>) target(%arg11 : memref<128x128xf32, #tpu.memory_space<vmem>>) offsets(%dma_start3A_95 : memref<128xi32, #tpu.memory_space<vmem>>) semaphore(%arg13 : memref<!tpu.dma_semaphore, #tpu.memory_space<semaphore_mem>>)
      } else {
      }
      %add3A_67 = arith.constant 1 : i32
      %add3A_68 = arith.addi %mul3A_33, %add3A_67 : i32
      %mul3A_69 = arith.constant 128 : i32
      %mul3A_70 = arith.muli %add3A_68, %mul3A_69 : i32
      %dma_wait3A_71 = tpu.memref_slice %arg7[%mul3A_70] : memref<10000xi32, #tpu.memory_space<vmem>> -> memref<128xi32, #tpu.memory_space<vmem>>
      %dma_wait3A_72 = arith.constant 0 : i32
      %dma_wait3A_73 = arith.constant 0 : i32
      %dma_wait3A_74 = tpu.memref_slice %arg2[%dma_wait3A_72, %dma_wait3A_73] : memref<10000x128xf32, #tpu.memory_space<hbm>> -> memref<10000x128xf32, #tpu.memory_space<hbm>>
      tpu.wait_indirect_dma semaphore(%arg14 : memref<!tpu.dma_semaphore, #tpu.memory_space<semaphore_mem>>) src(%dma_wait3A_74 : memref<10000x128xf32, #tpu.memory_space<hbm>>) dst(%arg12 : memref<128x128xf32, #tpu.memory_space<vmem>>)
      %add3A_75 = arith.constant 320000 : i32
      %add3A_76 = arith.addi %add3A_75, %mul3A_6 : i32
      %mul3A_77 = arith.constant 128 : i32
      %mul3A_78 = arith.muli %add3A_68, %mul3A_77 : i32
      %add3A_79 = arith.addi %add3A_76, %mul3A_78 : i32
      %dma_wait3A_80 = tpu.memref_slice %arg3[%add3A_79] : memref<640000xi32, #tpu.memory_space<hbm>> -> memref<128xi32, #tpu.memory_space<hbm>>
      %dma_wait3A_81 = tpu.memref_slice %arg3[%add3A_79] : memref<640000xi32, #tpu.memory_space<hbm>> -> memref<128xi32, #tpu.memory_space<hbm>>
      tpu.wait_dma2 semaphore(%arg16 : memref<!tpu.dma_semaphore, #tpu.memory_space<semaphore_mem>>) src(%dma_wait3A_81 : memref<128xi32, #tpu.memory_space<hbm>>) dst(%arg9 : memref<128xi32, #tpu.memory_space<vmem>>)
      "tpu.region"() ({
        %run_scoped3A = tpu.sem_alloc : memref<!tpu.dma_semaphore, #tpu.memory_space<semaphore_mem>>
        %dma_start3A_82 = arith.constant 0 : i32
        %dma_start3A_83 = arith.constant 0 : i32
        %dma_start3A_84 = tpu.memref_slice %arg6[%dma_start3A_82, %dma_start3A_83] : memref<10240x128xf32, #tpu.memory_space<vmem_shared>> -> memref<10240x128xf32, #tpu.memory_space<vmem_shared>>
        tpu.enqueue_indirect_dma source(%arg12 : memref<128x128xf32, #tpu.memory_space<vmem>>) target(%dma_start3A_84 : memref<10240x128xf32, #tpu.memory_space<vmem_shared>>) offsets(%arg9 : memref<128xi32, #tpu.memory_space<vmem>>) semaphore(%run_scoped3A : memref<!tpu.dma_semaphore, #tpu.memory_space<semaphore_mem>>) {add = true}
        %dma_wait3A_85 = arith.constant 0 : i32
        %dma_wait3A_86 = arith.constant 0 : i32
        %dma_wait3A_87 = tpu.memref_slice %arg6[%dma_wait3A_85, %dma_wait3A_86] : memref<10240x128xf32, #tpu.memory_space<vmem_shared>> -> memref<10240x128xf32, #tpu.memory_space<vmem_shared>>
        tpu.wait_indirect_dma semaphore(%run_scoped3A : memref<!tpu.dma_semaphore, #tpu.memory_space<semaphore_mem>>) src(%arg12 : memref<128x128xf32, #tpu.memory_space<vmem>>) dst(%dma_wait3A_87 : memref<10240x128xf32, #tpu.memory_space<vmem_shared>>)
        tpu.yield
      }) : () -> ()
    }
    %scan3A_21 = arith.constant 39 : i32
    %add3A_22 = arith.constant 320000 : i32
    %add3A_23 = arith.addi %add3A_22, %mul3A_6 : i32
    %add3A_24 = arith.constant 9984 : i32
    %add3A_25 = arith.addi %add3A_23, %add3A_24 : i32
    "tpu.region"() ({
      %run_scoped3A = tpu.sem_alloc : memref<!tpu.dma_semaphore, #tpu.memory_space<semaphore_mem>>
      %dma_start3A_31 = tpu.memref_slice %arg3[%add3A_25] : memref<640000xi32, #tpu.memory_space<hbm>> -> memref<16xi32, #tpu.memory_space<hbm>>
      %dma_start3A_32 = tpu.memref_slice %arg3[%add3A_25] : memref<640000xi32, #tpu.memory_space<hbm>> -> memref<16xi32, #tpu.memory_space<hbm>>
      tpu.enqueue_dma source(%dma_start3A_32 : memref<16xi32, #tpu.memory_space<hbm>>) target(%arg10 : memref<16xi32, #tpu.memory_space<vmem>>) target_semaphore(%run_scoped3A : memref<!tpu.dma_semaphore, #tpu.memory_space<semaphore_mem>>)
      %dma_wait3A = tpu.memref_slice %arg3[%add3A_25] : memref<640000xi32, #tpu.memory_space<hbm>> -> memref<16xi32, #tpu.memory_space<hbm>>
      %dma_wait3A_33 = tpu.memref_slice %arg3[%add3A_25] : memref<640000xi32, #tpu.memory_space<hbm>> -> memref<16xi32, #tpu.memory_space<hbm>>
      tpu.wait_dma2 semaphore(%run_scoped3A : memref<!tpu.dma_semaphore, #tpu.memory_space<semaphore_mem>>) src(%dma_wait3A_33 : memref<16xi32, #tpu.memory_space<hbm>>) dst(%arg10 : memref<16xi32, #tpu.memory_space<vmem>>)
      tpu.yield
    }) : () -> ()
    "tpu.region"() ({
      %run_scoped3A = tpu.sem_alloc : memref<!tpu.dma_semaphore, #tpu.memory_space<semaphore_mem>>
      %dma_start3A_31 = arith.constant 0 : i32
      %dma_start3A_32 = arith.constant 0 : i32
      %dma_start3A_33 = tpu.memref_slice %arg11[%dma_start3A_31, %dma_start3A_32] : memref<128x128xf32, #tpu.memory_space<vmem>> -> memref<16x128xf32, #tpu.memory_space<vmem>>
      %dma_start3A_34 = arith.constant 9984 : i32
      %dma_start3A_35 = tpu.memref_slice %arg7[%dma_start3A_34] : memref<10000xi32, #tpu.memory_space<vmem>> -> memref<16xi32, #tpu.memory_space<vmem>>
      %dma_start3A_36 = arith.constant 0 : i32
      %dma_start3A_37 = arith.constant 0 : i32
      %dma_start3A_38 = tpu.memref_slice %arg2[%dma_start3A_36, %dma_start3A_37] : memref<10000x128xf32, #tpu.memory_space<hbm>> -> memref<10000x128xf32, #tpu.memory_space<hbm>>
      tpu.enqueue_indirect_dma source(%dma_start3A_38 : memref<10000x128xf32, #tpu.memory_space<hbm>>) target(%dma_start3A_33 : memref<16x128xf32, #tpu.memory_space<vmem>>) offsets(%dma_start3A_35 : memref<16xi32, #tpu.memory_space<vmem>>) semaphore(%run_scoped3A : memref<!tpu.dma_semaphore, #tpu.memory_space<semaphore_mem>>)
      %dma_wait3A = arith.constant 0 : i32
      %dma_wait3A_39 = arith.constant 0 : i32
      %dma_wait3A_40 = tpu.memref_slice %arg11[%dma_wait3A, %dma_wait3A_39] : memref<128x128xf32, #tpu.memory_space<vmem>> -> memref<16x128xf32, #tpu.memory_space<vmem>>
      %dma_wait3A_41 = arith.constant 9984 : i32
      %dma_wait3A_42 = tpu.memref_slice %arg7[%dma_wait3A_41] : memref<10000xi32, #tpu.memory_space<vmem>> -> memref<16xi32, #tpu.memory_space<vmem>>
      %dma_wait3A_43 = arith.constant 0 : i32
      %dma_wait3A_44 = arith.constant 0 : i32
      %dma_wait3A_45 = tpu.memref_slice %arg2[%dma_wait3A_43, %dma_wait3A_44] : memref<10000x128xf32, #tpu.memory_space<hbm>> -> memref<10000x128xf32, #tpu.memory_space<hbm>>
      tpu.wait_indirect_dma semaphore(%run_scoped3A : memref<!tpu.dma_semaphore, #tpu.memory_space<semaphore_mem>>) src(%dma_wait3A_45 : memref<10000x128xf32, #tpu.memory_space<hbm>>) dst(%dma_wait3A_40 : memref<16x128xf32, #tpu.memory_space<vmem>>)
      tpu.yield
    }) : () -> ()
    "tpu.region"() ({
      %run_scoped3A = tpu.sem_alloc : memref<!tpu.dma_semaphore, #tpu.memory_space<semaphore_mem>>
      %dma_start3A_31 = arith.constant 0 : i32
      %dma_start3A_32 = arith.constant 0 : i32
      %dma_start3A_33 = tpu.memref_slice %arg11[%dma_start3A_31, %dma_start3A_32] : memref<128x128xf32, #tpu.memory_space<vmem>> -> memref<16x128xf32, #tpu.memory_space<vmem>>
      %dma_start3A_34 = arith.constant 0 : i32
      %dma_start3A_35 = arith.constant 0 : i32
      %dma_start3A_36 = tpu.memref_slice %arg6[%dma_start3A_34, %dma_start3A_35] : memref<10240x128xf32, #tpu.memory_space<vmem_shared>> -> memref<10240x128xf32, #tpu.memory_space<vmem_shared>>
      tpu.enqueue_indirect_dma source(%dma_start3A_33 : memref<16x128xf32, #tpu.memory_space<vmem>>) target(%dma_start3A_36 : memref<10240x128xf32, #tpu.memory_space<vmem_shared>>) offsets(%arg10 : memref<16xi32, #tpu.memory_space<vmem>>) semaphore(%run_scoped3A : memref<!tpu.dma_semaphore, #tpu.memory_space<semaphore_mem>>) {add = true}
      %dma_wait3A = arith.constant 0 : i32
      %dma_wait3A_37 = arith.constant 0 : i32
      %dma_wait3A_38 = tpu.memref_slice %arg11[%dma_wait3A, %dma_wait3A_37] : memref<128x128xf32, #tpu.memory_space<vmem>> -> memref<16x128xf32, #tpu.memory_space<vmem>>
      %dma_wait3A_39 = arith.constant 0 : i32
      %dma_wait3A_40 = arith.constant 0 : i32
      %dma_wait3A_41 = tpu.memref_slice %arg6[%dma_wait3A_39, %dma_wait3A_40] : memref<10240x128xf32, #tpu.memory_space<vmem_shared>> -> memref<10240x128xf32, #tpu.memory_space<vmem_shared>>
      tpu.wait_indirect_dma semaphore(%run_scoped3A : memref<!tpu.dma_semaphore, #tpu.memory_space<semaphore_mem>>) src(%dma_wait3A_38 : memref<16x128xf32, #tpu.memory_space<vmem>>) dst(%dma_wait3A_41 : memref<10240x128xf32, #tpu.memory_space<vmem_shared>>)
      tpu.yield
    }) : () -> ()
    %barrier3A_26 = arith.constant 0 : index
    tpu.barrier barrier_id(%barrier3A_26)
    %mul3A_27 = arith.constant 640 : i32
    %mul3A_28 = arith.muli %arg1, %mul3A_27 : i32
    %mul3A_29 = arith.constant 640 : i32
    %mul3A_30 = arith.muli %arg1, %mul3A_29 : i32
    "tpu.region"() ({
      %run_scoped3A = tpu.sem_alloc : memref<!tpu.dma_semaphore, #tpu.memory_space<semaphore_mem>>
      %dma_start3A_31 = arith.constant 0 : i32
      %dma_start3A_32 = tpu.memref_slice %arg5[%arg0, %mul3A_30, %dma_start3A_31] : memref<2x10240x128xf32, #tpu.memory_space<hbm>> -> memref<1x640x128xf32, #tpu.memory_space<hbm>>
      %dma_start3A_33 = tpu.memref_squeeze %dma_start3A_32 : memref<1x640x128xf32, #tpu.memory_space<hbm>> -> memref<640x128xf32, #tpu.memory_space<hbm>>
      %dma_start3A_34 = arith.constant 0 : i32
      %dma_start3A_35 = tpu.memref_slice %arg6[%mul3A_28, %dma_start3A_34] : memref<10240x128xf32, #tpu.memory_space<vmem_shared>> -> memref<640x128xf32, #tpu.memory_space<vmem_shared>>
      tpu.enqueue_dma source(%dma_start3A_35 : memref<640x128xf32, #tpu.memory_space<vmem_shared>>) target(%dma_start3A_33 : memref<640x128xf32, #tpu.memory_space<hbm>>) target_semaphore(%run_scoped3A : memref<!tpu.dma_semaphore, #tpu.memory_space<semaphore_mem>>)
      %dma_wait3A = arith.constant 0 : i32
      %dma_wait3A_36 = tpu.memref_slice %arg5[%arg0, %mul3A_30, %dma_wait3A] : memref<2x10240x128xf32, #tpu.memory_space<hbm>> -> memref<1x640x128xf32, #tpu.memory_space<hbm>>
      %dma_wait3A_37 = tpu.memref_squeeze %dma_wait3A_36 : memref<1x640x128xf32, #tpu.memory_space<hbm>> -> memref<640x128xf32, #tpu.memory_space<hbm>>
      %dma_wait3A_38 = arith.constant 0 : i32
      %dma_wait3A_39 = tpu.memref_slice %arg6[%mul3A_28, %dma_wait3A_38] : memref<10240x128xf32, #tpu.memory_space<vmem_shared>> -> memref<640x128xf32, #tpu.memory_space<vmem_shared>>
      tpu.wait_dma2 semaphore(%run_scoped3A : memref<!tpu.dma_semaphore, #tpu.memory_space<semaphore_mem>>) src(%dma_wait3A_39 : memref<640x128xf32, #tpu.memory_space<vmem_shared>>) dst(%dma_wait3A_37 : memref<640x128xf32, #tpu.memory_space<hbm>>)
      tpu.yield
    }) : () -> ()
    return
  }
}

#map = affine_map<(d0, d1) -> (0)>
#map1 = affine_map<(d0, d1) -> (0, 0)>
module attributes {stable_mosaic.version = 14 : i64} {
  func.func @_sc_deg_body(%arg0: i32, %arg1: i32, %arg2: memref<640000xi32, #tpu.memory_space<hbm>>, %arg3: memref<128xf32, #tpu.memory_space<hbm>>, %arg4: memref<640xf32, #tpu.memory_space<hbm>>, %arg5: memref<2x10240xf32, #tpu.memory_space<hbm>>, %arg6: memref<10240xf32, #tpu.memory_space<vmem_shared>>, %arg7: memref<10000xi32, #tpu.memory_space<vmem>>, %arg8: memref<128xf32, #tpu.memory_space<vmem>>, %arg9: memref<!tpu.dma_semaphore, #tpu.memory_space<semaphore_mem>>, %arg10: memref<!tpu.dma_semaphore, #tpu.memory_space<semaphore_mem>>) attributes {dimension_semantics = [#tpu.dimension_semantics<core_parallel>, #tpu.dimension_semantics<subcore_parallel>], iteration_bounds = array<i64: 2, 16>, scalar_prefetch = 0 : i64, scratch_operands = 5 : i64, tpu.core_type = #tpu.core_type<sc_vector_subcore>, window_params = [{transform_indices = #map}, {transform_indices = #map}, {transform_indices = #map}, {transform_indices = #map1}]} {
    %mul3A = arith.constant 16 : i32
    %mul3A_0 = arith.muli %arg0, %mul3A : i32
    %add3A = arith.addi %mul3A_0, %arg1 : i32
    %mul3A_1 = arith.constant 640 : i32
    %mul3A_2 = arith.muli %arg1, %mul3A_1 : i32
    "tpu.region"() ({
      %run_scoped3A = tpu.sem_alloc : memref<!tpu.dma_semaphore, #tpu.memory_space<semaphore_mem>>
      %dma_start3A_20 = tpu.memref_slice %arg6[%mul3A_2] : memref<10240xf32, #tpu.memory_space<vmem_shared>> -> memref<640xf32, #tpu.memory_space<vmem_shared>>
      tpu.enqueue_dma source(%arg4 : memref<640xf32, #tpu.memory_space<hbm>>) target(%dma_start3A_20 : memref<640xf32, #tpu.memory_space<vmem_shared>>) target_semaphore(%run_scoped3A : memref<!tpu.dma_semaphore, #tpu.memory_space<semaphore_mem>>)
      %dma_wait3A = tpu.memref_slice %arg6[%mul3A_2] : memref<10240xf32, #tpu.memory_space<vmem_shared>> -> memref<640xf32, #tpu.memory_space<vmem_shared>>
      tpu.wait_dma2 semaphore(%run_scoped3A : memref<!tpu.dma_semaphore, #tpu.memory_space<semaphore_mem>>) src(%arg4 : memref<640xf32, #tpu.memory_space<hbm>>) dst(%dma_wait3A : memref<640xf32, #tpu.memory_space<vmem_shared>>)
      tpu.yield
    }) : () -> ()
    "tpu.region"() ({
      %run_scoped3A = tpu.sem_alloc : memref<!tpu.dma_semaphore, #tpu.memory_space<semaphore_mem>>
      tpu.enqueue_dma source(%arg3 : memref<128xf32, #tpu.memory_space<hbm>>) target(%arg8 : memref<128xf32, #tpu.memory_space<vmem>>) target_semaphore(%run_scoped3A : memref<!tpu.dma_semaphore, #tpu.memory_space<semaphore_mem>>)
      tpu.wait_dma2 semaphore(%run_scoped3A : memref<!tpu.dma_semaphore, #tpu.memory_space<semaphore_mem>>) src(%arg3 : memref<128xf32, #tpu.memory_space<hbm>>) dst(%arg8 : memref<128xf32, #tpu.memory_space<vmem>>)
      tpu.yield
    }) : () -> ()
    %mul3A_3 = arith.constant 10000 : i32
    %mul3A_4 = arith.muli %add3A, %mul3A_3 : i32
    %add3A_5 = arith.constant 320000 : i32
    %add3A_6 = arith.addi %add3A_5, %mul3A_4 : i32
    "tpu.region"() ({
      %run_scoped3A = tpu.sem_alloc : memref<!tpu.dma_semaphore, #tpu.memory_space<semaphore_mem>>
      %dma_start3A_20 = tpu.memref_slice %arg2[%add3A_6] : memref<640000xi32, #tpu.memory_space<hbm>> -> memref<10000xi32, #tpu.memory_space<hbm>>
      %dma_start3A_21 = tpu.memref_slice %arg2[%add3A_6] : memref<640000xi32, #tpu.memory_space<hbm>> -> memref<10000xi32, #tpu.memory_space<hbm>>
      tpu.enqueue_dma source(%dma_start3A_21 : memref<10000xi32, #tpu.memory_space<hbm>>) target(%arg7 : memref<10000xi32, #tpu.memory_space<vmem>>) target_semaphore(%run_scoped3A : memref<!tpu.dma_semaphore, #tpu.memory_space<semaphore_mem>>)
      %dma_wait3A = tpu.memref_slice %arg2[%add3A_6] : memref<640000xi32, #tpu.memory_space<hbm>> -> memref<10000xi32, #tpu.memory_space<hbm>>
      %dma_wait3A_22 = tpu.memref_slice %arg2[%add3A_6] : memref<640000xi32, #tpu.memory_space<hbm>> -> memref<10000xi32, #tpu.memory_space<hbm>>
      tpu.wait_dma2 semaphore(%run_scoped3A : memref<!tpu.dma_semaphore, #tpu.memory_space<semaphore_mem>>) src(%dma_wait3A_22 : memref<10000xi32, #tpu.memory_space<hbm>>) dst(%arg7 : memref<10000xi32, #tpu.memory_space<vmem>>)
      tpu.yield
    }) : () -> ()
    %barrier3A = arith.constant 0 : index
    tpu.barrier barrier_id(%barrier3A)
    %dma_start3A = arith.constant 0 : i32
    %dma_start3A_7 = tpu.memref_slice %arg7[%dma_start3A] : memref<10000xi32, #tpu.memory_space<vmem>> -> memref<128xi32, #tpu.memory_space<vmem>>
    %dma_start3A_8 = arith.constant 0 : i32
    %dma_start3A_9 = tpu.memref_slice %arg6[%dma_start3A_8] : memref<10240xf32, #tpu.memory_space<vmem_shared>> -> memref<10240xf32, #tpu.memory_space<vmem_shared>>
    tpu.enqueue_indirect_dma source(%arg8 : memref<128xf32, #tpu.memory_space<vmem>>) target(%dma_start3A_9 : memref<10240xf32, #tpu.memory_space<vmem_shared>>) offsets(%dma_start3A_7 : memref<128xi32, #tpu.memory_space<vmem>>) semaphore(%arg9 : memref<!tpu.dma_semaphore, #tpu.memory_space<semaphore_mem>>) {add = true}
    %scan3A = arith.constant 0 : i32
    %scan3A_10 = arith.constant 0 : i32
    %scan3A_11 = arith.constant 39 : i32
    %scan3A_12 = arith.addi %scan3A_10, %scan3A_11 : i32
    %scan3A_13 = arith.constant 1 : i32
    scf.for %scan3A_20 = %scan3A_10 to %scan3A_12 step %scan3A_13  : i32 {
      %mul3A_21 = arith.constant 2 : i32
      %mul3A_22 = arith.muli %mul3A_21, %scan3A_20 : i32
      %add3A_23 = arith.constant 1 : i32
      %add3A_24 = arith.addi %mul3A_22, %add3A_23 : i32
      %mul3A_25 = arith.constant 128 : i32
      %mul3A_26 = arith.muli %add3A_24, %mul3A_25 : i32
      %dma_start3A_27 = tpu.memref_slice %arg7[%mul3A_26] : memref<10000xi32, #tpu.memory_space<vmem>> -> memref<128xi32, #tpu.memory_space<vmem>>
      %dma_start3A_28 = arith.constant 0 : i32
      %dma_start3A_29 = tpu.memref_slice %arg6[%dma_start3A_28] : memref<10240xf32, #tpu.memory_space<vmem_shared>> -> memref<10240xf32, #tpu.memory_space<vmem_shared>>
      tpu.enqueue_indirect_dma source(%arg8 : memref<128xf32, #tpu.memory_space<vmem>>) target(%dma_start3A_29 : memref<10240xf32, #tpu.memory_space<vmem_shared>>) offsets(%dma_start3A_27 : memref<128xi32, #tpu.memory_space<vmem>>) semaphore(%arg10 : memref<!tpu.dma_semaphore, #tpu.memory_space<semaphore_mem>>) {add = true}
      %mul3A_30 = arith.constant 128 : i32
      %mul3A_31 = arith.muli %mul3A_22, %mul3A_30 : i32
      %dma_wait3A = tpu.memref_slice %arg7[%mul3A_31] : memref<10000xi32, #tpu.memory_space<vmem>> -> memref<128xi32, #tpu.memory_space<vmem>>
      %dma_wait3A_32 = arith.constant 0 : i32
      %dma_wait3A_33 = tpu.memref_slice %arg6[%dma_wait3A_32] : memref<10240xf32, #tpu.memory_space<vmem_shared>> -> memref<10240xf32, #tpu.memory_space<vmem_shared>>
      tpu.wait_indirect_dma semaphore(%arg9 : memref<!tpu.dma_semaphore, #tpu.memory_space<semaphore_mem>>) src(%arg8 : memref<128xf32, #tpu.memory_space<vmem>>) dst(%dma_wait3A_33 : memref<10240xf32, #tpu.memory_space<vmem_shared>>)
      %add3A_34 = arith.constant 2 : i32
      %add3A_35 = arith.addi %mul3A_22, %add3A_34 : i32
      %lt3A = arith.constant 78 : i32
      %lt3A_36 = arith.cmpi slt, %add3A_35, %lt3A : i32
      %convert_element_type3A = arith.extui %lt3A_36 : i1 to i32
      %cond3A = arith.constant 0 : i32
      %cond3A_37 = arith.cmpi ne, %convert_element_type3A, %cond3A : i32
      scf.if %cond3A_37 {
        %add3A_45 = arith.constant 2 : i32
        %add3A_46 = arith.addi %mul3A_22, %add3A_45 : i32
        %mul3A_47 = arith.constant 128 : i32
        %mul3A_48 = arith.muli %add3A_46, %mul3A_47 : i32
        %dma_start3A_49 = tpu.memref_slice %arg7[%mul3A_48] : memref<10000xi32, #tpu.memory_space<vmem>> -> memref<128xi32, #tpu.memory_space<vmem>>
        %dma_start3A_50 = arith.constant 0 : i32
        %dma_start3A_51 = tpu.memref_slice %arg6[%dma_start3A_50] : memref<10240xf32, #tpu.memory_space<vmem_shared>> -> memref<10240xf32, #tpu.memory_space<vmem_shared>>
        tpu.enqueue_indirect_dma source(%arg8 : memref<128xf32, #tpu.memory_space<vmem>>) target(%dma_start3A_51 : memref<10240xf32, #tpu.memory_space<vmem_shared>>) offsets(%dma_start3A_49 : memref<128xi32, #tpu.memory_space<vmem>>) semaphore(%arg9 : memref<!tpu.dma_semaphore, #tpu.memory_space<semaphore_mem>>) {add = true}
      } else {
      }
      %add3A_38 = arith.constant 1 : i32
      %add3A_39 = arith.addi %mul3A_22, %add3A_38 : i32
      %mul3A_40 = arith.constant 128 : i32
      %mul3A_41 = arith.muli %add3A_39, %mul3A_40 : i32
      %dma_wait3A_42 = tpu.memref_slice %arg7[%mul3A_41] : memref<10000xi32, #tpu.memory_space<vmem>> -> memref<128xi32, #tpu.memory_space<vmem>>
      %dma_wait3A_43 = arith.constant 0 : i32
      %dma_wait3A_44 = tpu.memref_slice %arg6[%dma_wait3A_43] : memref<10240xf32, #tpu.memory_space<vmem_shared>> -> memref<10240xf32, #tpu.memory_space<vmem_shared>>
      tpu.wait_indirect_dma semaphore(%arg10 : memref<!tpu.dma_semaphore, #tpu.memory_space<semaphore_mem>>) src(%arg8 : memref<128xf32, #tpu.memory_space<vmem>>) dst(%dma_wait3A_44 : memref<10240xf32, #tpu.memory_space<vmem_shared>>)
    }
    %scan3A_14 = arith.constant 39 : i32
    "tpu.region"() ({
      %run_scoped3A = tpu.sem_alloc : memref<!tpu.dma_semaphore, #tpu.memory_space<semaphore_mem>>
      %dma_start3A_20 = arith.constant 0 : i32
      %dma_start3A_21 = tpu.memref_slice %arg8[%dma_start3A_20] : memref<128xf32, #tpu.memory_space<vmem>> -> memref<16xf32, #tpu.memory_space<vmem>>
      %dma_start3A_22 = arith.constant 9984 : i32
      %dma_start3A_23 = tpu.memref_slice %arg7[%dma_start3A_22] : memref<10000xi32, #tpu.memory_space<vmem>> -> memref<16xi32, #tpu.memory_space<vmem>>
      %dma_start3A_24 = arith.constant 0 : i32
      %dma_start3A_25 = tpu.memref_slice %arg6[%dma_start3A_24] : memref<10240xf32, #tpu.memory_space<vmem_shared>> -> memref<10240xf32, #tpu.memory_space<vmem_shared>>
      tpu.enqueue_indirect_dma source(%dma_start3A_21 : memref<16xf32, #tpu.memory_space<vmem>>) target(%dma_start3A_25 : memref<10240xf32, #tpu.memory_space<vmem_shared>>) offsets(%dma_start3A_23 : memref<16xi32, #tpu.memory_space<vmem>>) semaphore(%run_scoped3A : memref<!tpu.dma_semaphore, #tpu.memory_space<semaphore_mem>>) {add = true}
      %dma_wait3A = arith.constant 0 : i32
      %dma_wait3A_26 = tpu.memref_slice %arg8[%dma_wait3A] : memref<128xf32, #tpu.memory_space<vmem>> -> memref<16xf32, #tpu.memory_space<vmem>>
      %dma_wait3A_27 = arith.constant 9984 : i32
      %dma_wait3A_28 = tpu.memref_slice %arg7[%dma_wait3A_27] : memref<10000xi32, #tpu.memory_space<vmem>> -> memref<16xi32, #tpu.memory_space<vmem>>
      %dma_wait3A_29 = arith.constant 0 : i32
      %dma_wait3A_30 = tpu.memref_slice %arg6[%dma_wait3A_29] : memref<10240xf32, #tpu.memory_space<vmem_shared>> -> memref<10240xf32, #tpu.memory_space<vmem_shared>>
      tpu.wait_indirect_dma semaphore(%run_scoped3A : memref<!tpu.dma_semaphore, #tpu.memory_space<semaphore_mem>>) src(%dma_wait3A_26 : memref<16xf32, #tpu.memory_space<vmem>>) dst(%dma_wait3A_30 : memref<10240xf32, #tpu.memory_space<vmem_shared>>)
      tpu.yield
    }) : () -> ()
    %barrier3A_15 = arith.constant 0 : index
    tpu.barrier barrier_id(%barrier3A_15)
    %mul3A_16 = arith.constant 640 : i32
    %mul3A_17 = arith.muli %arg1, %mul3A_16 : i32
    %mul3A_18 = arith.constant 640 : i32
    %mul3A_19 = arith.muli %arg1, %mul3A_18 : i32
    "tpu.region"() ({
      %run_scoped3A = tpu.sem_alloc : memref<!tpu.dma_semaphore, #tpu.memory_space<semaphore_mem>>
      %dma_start3A_20 = tpu.memref_slice %arg5[%arg0, %mul3A_19] : memref<2x10240xf32, #tpu.memory_space<hbm>> -> memref<1x640xf32, #tpu.memory_space<hbm>>
      %dma_start3A_21 = tpu.memref_squeeze %dma_start3A_20 : memref<1x640xf32, #tpu.memory_space<hbm>> -> memref<640xf32, #tpu.memory_space<hbm>>
      %dma_start3A_22 = tpu.memref_slice %arg6[%mul3A_17] : memref<10240xf32, #tpu.memory_space<vmem_shared>> -> memref<640xf32, #tpu.memory_space<vmem_shared>>
      tpu.enqueue_dma source(%dma_start3A_22 : memref<640xf32, #tpu.memory_space<vmem_shared>>) target(%dma_start3A_21 : memref<640xf32, #tpu.memory_space<hbm>>) target_semaphore(%run_scoped3A : memref<!tpu.dma_semaphore, #tpu.memory_space<semaphore_mem>>)
      %dma_wait3A = tpu.memref_slice %arg5[%arg0, %mul3A_19] : memref<2x10240xf32, #tpu.memory_space<hbm>> -> memref<1x640xf32, #tpu.memory_space<hbm>>
      %dma_wait3A_23 = tpu.memref_squeeze %dma_wait3A : memref<1x640xf32, #tpu.memory_space<hbm>> -> memref<640xf32, #tpu.memory_space<hbm>>
      %dma_wait3A_24 = tpu.memref_slice %arg6[%mul3A_17] : memref<10240xf32, #tpu.memory_space<vmem_shared>> -> memref<640xf32, #tpu.memory_space<vmem_shared>>
      tpu.wait_dma2 semaphore(%run_scoped3A : memref<!tpu.dma_semaphore, #tpu.memory_space<semaphore_mem>>) src(%dma_wait3A_24 : memref<640xf32, #tpu.memory_space<vmem_shared>>) dst(%dma_wait3A_23 : memref<640xf32, #tpu.memory_space<hbm>>)
      tpu.yield
    }) : () -> ()
    return
  }
}

module attributes {stable_mosaic.version = 14 : i64} {
  func.func @_tc_y1_body(%arg0: i32, %arg1: memref<1000x1xf32, #tpu.memory_space<vmem>>, %arg2: memref<1000x1xf32, #tpu.memory_space<vmem>>, %arg3: memref<1000x128xf32, #tpu.memory_space<vmem>>, %arg4: memref<128x128xf32, #tpu.memory_space<vmem>>, %arg5: memref<1000x128xf32, #tpu.memory_space<vmem>>, %arg6: memref<1000x1xf32, #tpu.memory_space<vmem>>) attributes {dimension_semantics = [#tpu.dimension_semantics<arbitrary>], iteration_bounds = array<i64: 10>, scalar_prefetch = 0 : i64, scratch_operands = 0 : i64, tpu.core_type = #tpu.core_type<tc>, window_params = [{transform_indices = @transform_0, window_bounds = array<i64: 1000, 1>}, {transform_indices = @transform_1, window_bounds = array<i64: 1000, 1>}, {transform_indices = @transform_2, window_bounds = array<i64: 1000, 128>}, {pipeline_mode = #tpu.pipeline_mode<synchronous>, transform_indices = @transform_3, window_bounds = array<i64: 128, 128>}, {transform_indices = @transform_4, window_bounds = array<i64: 1000, 128>}, {transform_indices = @transform_5, window_bounds = array<i64: 1000, 1>}]} {
    %get3A = arith.constant 0 : index
    %get3A_0 = arith.constant 0 : index
    %get3A_1 = vector.load %arg1[%get3A, %get3A_0] : memref<1000x1xf32, #tpu.memory_space<vmem>>, vector<1000x1xf32>
    %get3A_2 = arith.constant 0 : index
    %get3A_3 = arith.constant 0 : index
    %get3A_4 = vector.load %arg2[%get3A_2, %get3A_3] : memref<1000x1xf32, #tpu.memory_space<vmem>>, vector<1000x1xf32>
    %add3A = arith.addf %get3A_1, %get3A_4 : vector<1000x1xf32>
    %add3A_5 = arith.constant 1.000000e+00 : f32
    %add3A_6 = vector.broadcast %add3A_5 : f32 to vector<1000x1xf32>
    %add3A_7 = arith.addf %add3A, %add3A_6 : vector<1000x1xf32>
    %rsqrt3A = math.rsqrt %add3A_7 : vector<1000x1xf32>
    %get3A_8 = arith.constant 0 : index
    %get3A_9 = arith.constant 0 : index
    %get3A_10 = vector.load %arg3[%get3A_8, %get3A_9] : memref<1000x128xf32, #tpu.memory_space<vmem>>, vector<1000x128xf32>
    %get3A_11 = arith.constant 0 : index
    %get3A_12 = arith.constant 0 : index
    %get3A_13 = vector.load %arg4[%get3A_11, %get3A_12] : memref<128x128xf32, #tpu.memory_space<vmem>>, vector<128x128xf32>
    %dot_general3A = arith.constant dense<0.000000e+00> : vector<1000x128xf32>
    %dot_general3A_14 = tpu.matmul %get3A_10, %get3A_13, %dot_general3A {dimension_numbers = #tpu.dot_dimension_numbers<[1], [0], [0], [1], [0, 0, 1, 1], [], []>, transpose_lhs_hint = false} : vector<1000x128xf32>, vector<128x128xf32>, vector<1000x128xf32> -> vector<1000x128xf32>
    %mul3A = vector.broadcast %rsqrt3A : vector<1000x1xf32> to vector<1000x128xf32>
    %mul3A_15 = arith.mulf %mul3A, %dot_general3A_14 : vector<1000x128xf32>
    %swap3A = arith.constant 0 : index
    %swap3A_16 = arith.constant 0 : index
    %swap3A_17 = vector.load %arg5[%swap3A, %swap3A_16] : memref<1000x128xf32, #tpu.memory_space<vmem>>, vector<1000x128xf32>
    tpu.vector_store %arg5[%swap3A, %swap3A_16], %mul3A_15 {strides = array<i32>} : memref<1000x128xf32, #tpu.memory_space<vmem>>, vector<1000x128xf32>,
    %swap3A_18 = arith.constant 0 : index
    %swap3A_19 = arith.constant 0 : index
    %swap3A_20 = vector.load %arg6[%swap3A_18, %swap3A_19] : memref<1000x1xf32, #tpu.memory_space<vmem>>, vector<1000x1xf32>
    tpu.vector_store %arg6[%swap3A_18, %swap3A_19], %rsqrt3A {strides = array<i32>} : memref<1000x1xf32, #tpu.memory_space<vmem>>, vector<1000x1xf32>,
    return
  }
  func.func @transform_0(%arg0: i32) -> (i32, i32) {
    %c0_i32 = arith.constant 0 : i32
    %c0_i32_0 = arith.constant 0 : i32
    return %arg0, %c0_i32 : i32, i32
  }
  func.func @transform_1(%arg0: i32) -> (i32, i32) {
    %c0_i32 = arith.constant 0 : i32
    %c0_i32_0 = arith.constant 0 : i32
    return %arg0, %c0_i32 : i32, i32
  }
  func.func @transform_2(%arg0: i32) -> (i32, i32) {
    %c0_i32 = arith.constant 0 : i32
    %c0_i32_0 = arith.constant 0 : i32
    return %arg0, %c0_i32 : i32, i32
  }
  func.func @transform_3(%arg0: i32) -> (i32, i32) {
    %c0_i32 = arith.constant 0 : i32
    %c0_i32_0 = arith.constant 0 : i32
    %c0_i32_1 = arith.constant 0 : i32
    return %c0_i32, %c0_i32_0 : i32, i32
  }
  func.func @transform_4(%arg0: i32) -> (i32, i32) {
    %c0_i32 = arith.constant 0 : i32
    %c0_i32_0 = arith.constant 0 : i32
    return %arg0, %c0_i32 : i32, i32
  }
  func.func @transform_5(%arg0: i32) -> (i32, i32) {
    %c0_i32 = arith.constant 0 : i32
    %c0_i32_0 = arith.constant 0 : i32
    return %arg0, %c0_i32 : i32, i32
  }
}

module attributes {stable_mosaic.version = 14 : i64} {
  func.func @_tc_mid_body(%arg0: i32, %arg1: memref<2x1000x128xf32, #tpu.memory_space<vmem>>, %arg2: memref<1000x128xf32, #tpu.memory_space<vmem>>, %arg3: memref<1000x1xf32, #tpu.memory_space<vmem>>, %arg4: memref<1x128xf32, #tpu.memory_space<vmem>>, %arg5: memref<128x128xf32, #tpu.memory_space<vmem>>, %arg6: memref<1000x128xf32, #tpu.memory_space<vmem>>) attributes {dimension_semantics = [#tpu.dimension_semantics<arbitrary>], iteration_bounds = array<i64: 10>, scalar_prefetch = 0 : i64, scratch_operands = 0 : i64, tpu.core_type = #tpu.core_type<tc>, window_params = [{transform_indices = @transform_0, window_bounds = array<i64: 2, 1000, 128>}, {transform_indices = @transform_1, window_bounds = array<i64: 1000, 128>}, {transform_indices = @transform_2, window_bounds = array<i64: 1000, 1>}, {pipeline_mode = #tpu.pipeline_mode<synchronous>, transform_indices = @transform_3, window_bounds = array<i64: 1, 128>}, {pipeline_mode = #tpu.pipeline_mode<synchronous>, transform_indices = @transform_4, window_bounds = array<i64: 128, 128>}, {transform_indices = @transform_5, window_bounds = array<i64: 1000, 128>}]} {
    %get3A = arith.constant 0 : index
    %get3A_0 = arith.constant 0 : index
    %get3A_1 = vector.load %arg3[%get3A, %get3A_0] : memref<1000x1xf32, #tpu.memory_space<vmem>>, vector<1000x1xf32>
    %get3A_2 = arith.constant 0 : index
    %get3A_3 = arith.constant 0 : index
    %get3A_4 = vector.load %arg4[%get3A_2, %get3A_3] : memref<1x128xf32, #tpu.memory_space<vmem>>, vector<1x128xf32>
    %get3A_5 = arith.constant 0 : index
    %get3A_6 = arith.constant 0 : index
    %get3A_7 = arith.constant 0 : index
    %get3A_8 = vector.load %arg1[%get3A_5, %get3A_6, %get3A_7] : memref<2x1000x128xf32, #tpu.memory_space<vmem>>, vector<1x1000x128xf32>
    %get3A_9 = vector.shape_cast %get3A_8 : vector<1x1000x128xf32> to vector<1000x128xf32>
    %get3A_10 = arith.constant 1 : index
    %get3A_11 = arith.constant 0 : index
    %get3A_12 = arith.constant 0 : index
    %get3A_13 = vector.load %arg1[%get3A_10, %get3A_11, %get3A_12] : memref<2x1000x128xf32, #tpu.memory_space<vmem>>, vector<1x1000x128xf32>
    %get3A_14 = vector.shape_cast %get3A_13 : vector<1x1000x128xf32> to vector<1000x128xf32>
    %add3A = arith.addf %get3A_9, %get3A_14 : vector<1000x128xf32>
    %get3A_15 = arith.constant 0 : index
    %get3A_16 = arith.constant 0 : index
    %get3A_17 = vector.load %arg2[%get3A_15, %get3A_16] : memref<1000x128xf32, #tpu.memory_space<vmem>>, vector<1000x128xf32>
    %add3A_18 = arith.addf %add3A, %get3A_17 : vector<1000x128xf32>
    %mul3A = vector.broadcast %get3A_1 : vector<1000x1xf32> to vector<1000x128xf32>
    %mul3A_19 = arith.mulf %mul3A, %add3A_18 : vector<1000x128xf32>
    %add3A_20 = vector.broadcast %get3A_4 : vector<1x128xf32> to vector<1000x128xf32>
    %add3A_21 = arith.addf %add3A_20, %mul3A_19 : vector<1000x128xf32>
    %max3A = arith.constant 0.000000e+00 : f32
    %max3A_22 = vector.broadcast %max3A : f32 to vector<1000x128xf32>
    %max3A_23 = arith.maximumf %add3A_21, %max3A_22 : vector<1000x128xf32>
    %get3A_24 = arith.constant 0 : index
    %get3A_25 = arith.constant 0 : index
    %get3A_26 = vector.load %arg5[%get3A_24, %get3A_25] : memref<128x128xf32, #tpu.memory_space<vmem>>, vector<128x128xf32>
    %dot_general3A = arith.constant dense<0.000000e+00> : vector<1000x128xf32>
    %dot_general3A_27 = tpu.matmul %max3A_23, %get3A_26, %dot_general3A {dimension_numbers = #tpu.dot_dimension_numbers<[1], [0], [0], [1], [0, 0, 1, 1], [], []>, transpose_lhs_hint = false} : vector<1000x128xf32>, vector<128x128xf32>, vector<1000x128xf32> -> vector<1000x128xf32>
    %mul3A_28 = vector.broadcast %get3A_1 : vector<1000x1xf32> to vector<1000x128xf32>
    %mul3A_29 = arith.mulf %mul3A_28, %dot_general3A_27 : vector<1000x128xf32>
    %swap3A = arith.constant 0 : index
    %swap3A_30 = arith.constant 0 : index
    %swap3A_31 = vector.load %arg6[%swap3A, %swap3A_30] : memref<1000x128xf32, #tpu.memory_space<vmem>>, vector<1000x128xf32>
    tpu.vector_store %arg6[%swap3A, %swap3A_30], %mul3A_29 {strides = array<i32>} : memref<1000x128xf32, #tpu.memory_space<vmem>>, vector<1000x128xf32>,
    return
  }
  func.func @transform_0(%arg0: i32) -> (i32, i32, i32) {
    %c0_i32 = arith.constant 0 : i32
    %c0_i32_0 = arith.constant 0 : i32
    %c0_i32_1 = arith.constant 0 : i32
    return %c0_i32, %arg0, %c0_i32_0 : i32, i32, i32
  }
  func.func @transform_1(%arg0: i32) -> (i32, i32) {
    %c0_i32 = arith.constant 0 : i32
    %c0_i32_0 = arith.constant 0 : i32
    return %arg0, %c0_i32 : i32, i32
  }
  func.func @transform_2(%arg0: i32) -> (i32, i32) {
    %c0_i32 = arith.constant 0 : i32
    %c0_i32_0 = arith.constant 0 : i32
    return %arg0, %c0_i32 : i32, i32
  }
  func.func @transform_3(%arg0: i32) -> (i32, i32) {
    %c0_i32 = arith.constant 0 : i32
    %c0_i32_0 = arith.constant 0 : i32
    %c0_i32_1 = arith.constant 0 : i32
    return %c0_i32, %c0_i32_0 : i32, i32
  }
  func.func @transform_4(%arg0: i32) -> (i32, i32) {
    %c0_i32 = arith.constant 0 : i32
    %c0_i32_0 = arith.constant 0 : i32
    %c0_i32_1 = arith.constant 0 : i32
    return %c0_i32, %c0_i32_0 : i32, i32
  }
  func.func @transform_5(%arg0: i32) -> (i32, i32) {
    %c0_i32 = arith.constant 0 : i32
    %c0_i32_0 = arith.constant 0 : i32
    return %arg0, %c0_i32 : i32, i32
  }
}

module attributes {stable_mosaic.version = 14 : i64} {
  func.func @_tc_final_body(%arg0: i32, %arg1: memref<2x1000x128xf32, #tpu.memory_space<vmem>>, %arg2: memref<1000x128xf32, #tpu.memory_space<vmem>>, %arg3: memref<1000x1xf32, #tpu.memory_space<vmem>>, %arg4: memref<1x128xf32, #tpu.memory_space<vmem>>, %arg5: memref<128x128xf32, #tpu.memory_space<vmem>>, %arg6: memref<1x128xf32, #tpu.memory_space<vmem>>, %arg7: memref<1x128xf32, #tpu.memory_space<vmem>>, %arg8: memref<1x128xf32, #tpu.memory_space<vmem>>) attributes {dimension_semantics = [#tpu.dimension_semantics<arbitrary>], iteration_bounds = array<i64: 10>, scalar_prefetch = 0 : i64, scratch_operands = 1 : i64, tpu.core_type = #tpu.core_type<tc>, window_params = [{transform_indices = @transform_0, window_bounds = array<i64: 2, 1000, 128>}, {transform_indices = @transform_1, window_bounds = array<i64: 1000, 128>}, {transform_indices = @transform_2, window_bounds = array<i64: 1000, 1>}, {pipeline_mode = #tpu.pipeline_mode<synchronous>, transform_indices = @transform_3, window_bounds = array<i64: 1, 128>}, {pipeline_mode = #tpu.pipeline_mode<synchronous>, transform_indices = @transform_4, window_bounds = array<i64: 128, 128>}, {pipeline_mode = #tpu.pipeline_mode<synchronous>, transform_indices = @transform_5, window_bounds = array<i64: 1, 128>}, {pipeline_mode = #tpu.pipeline_mode<synchronous>, transform_indices = @transform_6, window_bounds = array<i64: 1, 128>}]} {
    %get3A = arith.constant 0 : index
    %get3A_0 = arith.constant 0 : index
    %get3A_1 = vector.load %arg4[%get3A, %get3A_0] : memref<1x128xf32, #tpu.memory_space<vmem>>, vector<1x128xf32>
    %get3A_2 = arith.constant 0 : index
    %get3A_3 = arith.constant 0 : index
    %get3A_4 = vector.load %arg3[%get3A_2, %get3A_3] : memref<1000x1xf32, #tpu.memory_space<vmem>>, vector<1000x1xf32>
    %get3A_5 = arith.constant 0 : index
    %get3A_6 = arith.constant 0 : index
    %get3A_7 = arith.constant 0 : index
    %get3A_8 = vector.load %arg1[%get3A_5, %get3A_6, %get3A_7] : memref<2x1000x128xf32, #tpu.memory_space<vmem>>, vector<1x1000x128xf32>
    %get3A_9 = vector.shape_cast %get3A_8 : vector<1x1000x128xf32> to vector<1000x128xf32>
    %get3A_10 = arith.constant 1 : index
    %get3A_11 = arith.constant 0 : index
    %get3A_12 = arith.constant 0 : index
    %get3A_13 = vector.load %arg1[%get3A_10, %get3A_11, %get3A_12] : memref<2x1000x128xf32, #tpu.memory_space<vmem>>, vector<1x1000x128xf32>
    %get3A_14 = vector.shape_cast %get3A_13 : vector<1x1000x128xf32> to vector<1000x128xf32>
    %add3A = arith.addf %get3A_9, %get3A_14 : vector<1000x128xf32>
    %get3A_15 = arith.constant 0 : index
    %get3A_16 = arith.constant 0 : index
    %get3A_17 = vector.load %arg2[%get3A_15, %get3A_16] : memref<1000x128xf32, #tpu.memory_space<vmem>>, vector<1000x128xf32>
    %add3A_18 = arith.addf %add3A, %get3A_17 : vector<1000x128xf32>
    %mul3A = vector.broadcast %get3A_4 : vector<1000x1xf32> to vector<1000x128xf32>
    %mul3A_19 = arith.mulf %mul3A, %add3A_18 : vector<1000x128xf32>
    %add3A_20 = vector.broadcast %get3A_1 : vector<1x128xf32> to vector<1000x128xf32>
    %add3A_21 = arith.addf %add3A_20, %mul3A_19 : vector<1000x128xf32>
    %max3A = arith.constant 0.000000e+00 : f32
    %max3A_22 = vector.broadcast %max3A : f32 to vector<1000x128xf32>
    %max3A_23 = arith.maximumf %add3A_21, %max3A_22 : vector<1000x128xf32>
    %eq3A = arith.constant 0 : i32
    %eq3A_24 = arith.cmpi eq, %arg0, %eq3A : i32
    %convert_element_type3A = arith.extui %eq3A_24 : i1 to i32
    %cond3A = arith.constant 0 : i32
    %cond3A_25 = arith.cmpi ne, %convert_element_type3A, %cond3A : i32
    scf.if %cond3A_25 {
      %broadcast_in_dim3A_38 = arith.constant 0.000000e+00 : f32
      %broadcast_in_dim3A_39 = vector.broadcast %broadcast_in_dim3A_38 : f32 to vector<1x128xf32>
      %swap3A_40 = arith.constant 0 : index
      %swap3A_41 = arith.constant 0 : index
      %swap3A_42 = vector.load %arg8[%swap3A_40, %swap3A_41] : memref<1x128xf32, #tpu.memory_space<vmem>>, vector<1x128xf32>
      tpu.vector_store %arg8[%swap3A_40, %swap3A_41], %broadcast_in_dim3A_39 {strides = array<i32>} : memref<1x128xf32, #tpu.memory_space<vmem>>, vector<1x128xf32>,
    } else {
    }
    %get3A_26 = arith.constant 0 : index
    %get3A_27 = arith.constant 0 : index
    %get3A_28 = vector.load %arg8[%get3A_26, %get3A_27] : memref<1x128xf32, #tpu.memory_space<vmem>>, vector<1x128xf32>
    %reduce_sum3A = arith.constant dense<0.000000e+00> : vector<128xf32>
    %reduce_sum3A_29 = vector.multi_reduction <add>, %max3A_23, %reduce_sum3A [0] : vector<1000x128xf32> to vector<128xf32>
    %broadcast_in_dim3A = vector.shape_cast %reduce_sum3A_29 : vector<128xf32> to vector<1x128xf32>
    %add3A_30 = arith.addf %get3A_28, %broadcast_in_dim3A : vector<1x128xf32>
    %swap3A = arith.constant 0 : index
    %swap3A_31 = arith.constant 0 : index
    %swap3A_32 = vector.load %arg8[%swap3A, %swap3A_31] : memref<1x128xf32, #tpu.memory_space<vmem>>, vector<1x128xf32>
    tpu.vector_store %arg8[%swap3A, %swap3A_31], %add3A_30 {strides = array<i32>} : memref<1x128xf32, #tpu.memory_space<vmem>>, vector<1x128xf32>,
    %eq3A_33 = arith.constant 9 : i32
    %eq3A_34 = arith.cmpi eq, %arg0, %eq3A_33 : i32
    %convert_element_type3A_35 = arith.extui %eq3A_34 : i1 to i32
    %cond3A_36 = arith.constant 0 : i32
    %cond3A_37 = arith.cmpi ne, %convert_element_type3A_35, %cond3A_36 : i32
    scf.if %cond3A_37 {
      %get3A_38 = arith.constant 0 : index
      %get3A_39 = arith.constant 0 : index
      %get3A_40 = vector.load %arg8[%get3A_38, %get3A_39] : memref<1x128xf32, #tpu.memory_space<vmem>>, vector<1x128xf32>
      %mul3A_41 = arith.constant 9.99999974E-5 : f32
      %mul3A_42 = vector.broadcast %mul3A_41 : f32 to vector<1x128xf32>
      %mul3A_43 = arith.mulf %get3A_40, %mul3A_42 : vector<1x128xf32>
      %get3A_44 = arith.constant 0 : index
      %get3A_45 = arith.constant 0 : index
      %get3A_46 = vector.load %arg5[%get3A_44, %get3A_45] : memref<128x128xf32, #tpu.memory_space<vmem>>, vector<128x128xf32>
      %dot_general3A = arith.constant dense<0.000000e+00> : vector<1x128xf32>
      %dot_general3A_47 = tpu.matmul %mul3A_43, %get3A_46, %dot_general3A {dimension_numbers = #tpu.dot_dimension_numbers<[1], [0], [0], [1], [0, 0, 1, 1], [], []>, transpose_lhs_hint = false} : vector<1x128xf32>, vector<128x128xf32>, vector<1x128xf32> -> vector<1x128xf32>
      %get3A_48 = arith.constant 0 : index
      %get3A_49 = arith.constant 0 : index
      %get3A_50 = vector.load %arg6[%get3A_48, %get3A_49] : memref<1x128xf32, #tpu.memory_space<vmem>>, vector<1x128xf32>
      %add3A_51 = arith.addf %dot_general3A_47, %get3A_50 : vector<1x128xf32>
      %swap3A_52 = arith.constant 0 : index
      %swap3A_53 = arith.constant 0 : index
      %swap3A_54 = vector.load %arg7[%swap3A_52, %swap3A_53] : memref<1x128xf32, #tpu.memory_space<vmem>>, vector<1x128xf32>
      tpu.vector_store %arg7[%swap3A_52, %swap3A_53], %add3A_51 {strides = array<i32>} : memref<1x128xf32, #tpu.memory_space<vmem>>, vector<1x128xf32>,
    } else {
    }
    return
  }
  func.func @transform_0(%arg0: i32) -> (i32, i32, i32) {
    %c0_i32 = arith.constant 0 : i32
    %c0_i32_0 = arith.constant 0 : i32
    %c0_i32_1 = arith.constant 0 : i32
    return %c0_i32, %arg0, %c0_i32_0 : i32, i32, i32
  }
  func.func @transform_1(%arg0: i32) -> (i32, i32) {
    %c0_i32 = arith.constant 0 : i32
    %c0_i32_0 = arith.constant 0 : i32
    return %arg0, %c0_i32 : i32, i32
  }
  func.func @transform_2(%arg0: i32) -> (i32, i32) {
    %c0_i32 = arith.constant 0 : i32
    %c0_i32_0 = arith.constant 0 : i32
    return %arg0, %c0_i32 : i32, i32
  }
  func.func @transform_3(%arg0: i32) -> (i32, i32) {
    %c0_i32 = arith.constant 0 : i32
    %c0_i32_0 = arith.constant 0 : i32
    %c0_i32_1 = arith.constant 0 : i32
    return %c0_i32, %c0_i32_0 : i32, i32
  }
  func.func @transform_4(%arg0: i32) -> (i32, i32) {
    %c0_i32 = arith.constant 0 : i32
    %c0_i32_0 = arith.constant 0 : i32
    %c0_i32_1 = arith.constant 0 : i32
    return %c0_i32, %c0_i32_0 : i32, i32
  }
  func.func @transform_5(%arg0: i32) -> (i32, i32) {
    %c0_i32 = arith.constant 0 : i32
    %c0_i32_0 = arith.constant 0 : i32
    %c0_i32_1 = arith.constant 0 : i32
    return %c0_i32, %c0_i32_0 : i32, i32
  }
  func.func @transform_6(%arg0: i32) -> (i32, i32) {
    %c0_i32 = arith.constant 0 : i32
    %c0_i32_0 = arith.constant 0 : i32
    %c0_i32_1 = arith.constant 0 : i32
    return %c0_i32, %c0_i32_0 : i32, i32
  }
}

</mosaic_0001>

<sc_bundles>
// kernel: kernel.11.cloned.1.call-start
scs
__scs_entry_jumppad:
0x0: {  	(pc) =	sbr.rel $0x88, $3  }
0x1: {  	(tag) =	ssettag $0x0;
	lr =	simm.s32 $0x1  }
0x2: {  	[smem:$0x3F99] =	sst lr;
	_ =	strace $0xD0000000  }
0x3: {  	_ = 	snop  }
0x4: {  	_ = 	snop  }
0x5: {  	_ = 	snop  }
0x6: {  	_ = 	snop  }
0x7: {  	_ = 	snop  }
__scs_overlays_trampoline_lowered:
0x8: {  	[smem:$0x3FA8] =	sst s0  }
0x9: {  	[smem:$0x3FA9] =	sst s1  }
0xa: {  	[smem:$0x3FAA] =	sst s2  }
0xb: {  	[smem:$0x3FAB] =	sst s3  }
0xc: {  	[smem:$0x3FAC] =	sst s4  }
0xd: {  	[smem:$0x3FAD] =	sst s5  }
0xe: {  	[smem:$0x3FAE] =	sst s6  }
0xf: {  	[smem:$0x3FAF] =	sst s7  }
0x10: {  	[smem:$0x3FB0] =	sst s8  }
0x11: {  	[smem:$0x3FB1] =	sst s9;
	s0 =	simm.s32 @!p0 $0x0  }
0x12: {  	s1 =	sld [smem:$0x3F97];
	s0 =	simm.s32 @p0 $0x1  }
0x13: {  	[smem:$0x3FB2] =	sst s0;
	s0 =	simm.s32 @!p1 $0x0  }
0x14: {  	s2 =	sld [smem:$0x3F96];
	s0 =	simm.s32 @p1 $0x1  }
0x15: {  	[smem:$0x3FB3] =	sst s0;
	s0 =	simm.s32 @!p2 $0x0  }
0x16: {  	s3 =	sld [smem:$0x3FDB];
	s0 =	simm.s32 @p2 $0x1  }
0x17: {  	s4 =	simm.s32 $0x1BF5;
	[smem:$0x3FB5] =	sst s0  }
0x18: {  	s0 =	sld [smem:$0x3F98];
	_ =	swait.ge [sflag:s4], $0x0  }
0x19: {  	s7 =	sld [smem:$0x3F99]  }
0x1a: {  	s8 =	sadd.s32 $0xFFFFE003, lr  }
0x1b: {  	s9 =	sadd.s32 $0xFFFFFEF7, lr;
	s5 =	simm.s32 $0xFFFFFFFF;
	p2 =	slt.u32 s8, $0xFFFFF086  }
0x1c: {  	p1 =	slt.u32 s9, $0xF7A;
	s5 =	simm.s32 @!p2 $0x0  }
0x1d: {  	s5 =	simm.s32 @p1 $0x1;
	p0 =	seq.s32 s7, s2  }
0x1e: {  	s7 =	smul.u32 @!p0 $0xF7A, s2;
	p2 =	seq.s32 @!p0 s5, $0x0  }
0x1f: {  	s9 =	smul.u32 $0xF7A, s1;
	s8 =	simm.s32 @!p0 $0x1BF5;
	p2 =	por !p2, p0  }
0x20: {  	[sflag:s8] =	ssyncset.s32 @!p0 $0xFFFFF086;
	s6 =	sadd.s32 @!p0 s3, s7;
	s7 =	simm.s32 @!p0 $0x108  }
0x21: {  	s3 =	sadd.s32 s3, s9;
	s6 =	sadd.s32 @!p0 $0x88, s6;
	s7 =	simm.s32 @p2 $0x1082  }
0x22: {  	[simem:s7], [sflag:s8] =	dma.local @!p0 [hbm:s6], $0xF7A  }
0x23: {  	s9 =	sor.u32 $0xD0000000, s2;
	s6 =	simm.s32 $0x108;
	_ =	swait.ge @!p0 [sflag:s8], $0x0  }
0x24: {  	s3 =	sadd.s32 $0x88, s3;
	s6 =	simm.s32 @!p1 $0x1082;
	[sflag:s4] =	ssyncset.s32 $0xFFFFF086  }
0x25: {  	[simem:s6], [sflag:s4] =	dma.local [hbm:s3], $0xF7A  }
0x26: {  	[smem:$0x3F99] =	sst s1;
	(tag) =	ssettag s2;
	_ =	strace s9  }
0x27: {  	s1 =	sld [smem:$0x3FA9]  }
0x28: {  	s2 =	sld [smem:$0x3FAA]  }
0x29: {  	s4 =	sld [smem:$0x3FAC]  }
0x2a: {  	p0 =	seq.s32 s5, $0x0;
	s5 =	sld [smem:$0x3FAD]  }
0x2b: {  	s6 =	sld [smem:$0x3FAE]  }
0x2c: {  	s7 =	sld [smem:$0x3FAF]  }
0x2d: {  	s3 =	simm.s32 $0x108;
	s8 =	sld [smem:$0x3FB0]  }
0x2e: {  	s3 =	simm.s32 @!p0 $0x1082;
	s9 =	sld [smem:$0x3FB1]  }
0x2f: {  	lr =	sadd.s32 s0, s3;
	s0 =	sld [smem:$0x3FA8]  }
0x30: {  	s3 =	sld [smem:$0x3FAB]  }
0x31: {  	[smem:$0x3FB4] =	sst s10  }
0x32: {  	s10 =	sld [smem:$0x3FB2];
	_ =	sdelay $0x3  }
0x33: {  	p0 =	seq.s32 s10, $0x1;
	s10 =	sld [smem:$0x3FB4];
	_ =	sdelay $0x3  }
0x34: {  	[smem:$0x3FB4] =	sst s10  }
0x35: {  	s10 =	sld [smem:$0x3FB3];
	_ =	sdelay $0x3  }
0x36: {  	p1 =	seq.s32 s10, $0x1;
	s10 =	sld [smem:$0x3FB4];
	_ =	sdelay $0x3  }
0x37: {  	[smem:$0x3FB4] =	sst s10  }
0x38: {  	s10 =	sld [smem:$0x3FB5]  }
0x39: {  	_ = 	snop;
	(pc) =	sbr.ind lr, $3  }
0x3a: {  	_ = 	snop  }
0x3b: {  	_ = 	snop  }
0x3c: {  	p2 =	seq.s32 s10, $0x1;
	s10 =	sld [smem:$0x3FB4]  }
0x3d: {  	_ =	shalt  }
0x3e: {  	_ =	shalt  }
0x3f: {  	_ =	shalt  }
0x40: {  	_ =	shalt  }
0x41: {  	_ =	shalt  }
0x42: {  	_ =	shalt  }
0x43: {  	_ =	shalt  }
0x44: {  	_ =	shalt  }
0x45: {  	_ =	shalt  }
0x46: {  	_ =	shalt  }
0x47: {  	_ =	shalt  }
0x48: {  	_ =	shalt  }
0x49: {  	_ =	shalt  }
0x4a: {  	_ =	shalt  }
0x4b: {  	_ =	shalt  }
0x4c: {  	_ =	shalt  }
0x4d: {  	_ =	shalt  }
0x4e: {  	_ =	shalt  }
0x4f: {  	_ =	shalt  }
0x50: {  	_ =	shalt  }
0x51: {  	_ =	shalt  }
0x52: {  	_ =	shalt  }
0x53: {  	_ =	shalt  }
0x54: {  	_ =	shalt  }
0x55: {  	_ =	shalt  }
0x56: {  	_ =	shalt  }
0x57: {  	_ =	shalt  }
0x58: {  	_ =	shalt  }
0x59: {  	_ =	shalt  }
0x5a: {  	_ =	shalt  }
0x5b: {  	_ =	shalt  }
0x5c: {  	_ =	shalt  }
0x5d: {  	_ =	shalt  }
0x5e: {  	_ =	shalt  }
0x5f: {  	_ =	shalt  }
0x60: {  	_ =	shalt  }
0x61: {  	_ =	shalt  }
0x62: {  	_ =	shalt  }
0x63: {  	_ =	shalt  }
0x64: {  	_ =	shalt  }
0x65: {  	_ =	shalt  }
0x66: {  	_ =	shalt  }
0x67: {  	_ =	shalt  }
0x68: {  	_ =	shalt  }
0x69: {  	_ =	shalt  }
0x6a: {  	_ =	shalt  }
0x6b: {  	_ =	shalt  }
0x6c: {  	_ =	shalt  }
0x6d: {  	_ =	shalt  }
0x6e: {  	_ =	shalt  }
0x6f: {  	_ =	shalt  }
0x70: {  	_ =	shalt  }
0x71: {  	_ =	shalt  }
0x72: {  	_ =	shalt  }
0x73: {  	_ =	shalt  }
0x74: {  	_ =	shalt  }
0x75: {  	_ =	shalt  }
0x76: {  	_ =	shalt  }
0x77: {  	_ =	shalt  }
0x78: {  	_ =	shalt  }
0x79: {  	_ =	shalt  }
0x7a: {  	_ =	shalt  }
0x7b: {  	_ =	shalt  }
0x7c: {  	_ =	shalt  }
0x7d: {  	_ =	shalt  }
0x7e: {  	_ =	shalt  }
0x7f: {  	_ =	shalt  }
0x80: {  	_ =	shalt  }
0x81: {  	_ =	shalt  }
0x82: {  	_ =	shalt  }
0x83: {  	_ =	shalt  }
0x84: {  	_ =	shalt  }
0x85: {  	_ =	shalt  }
0x86: {  	_ =	shalt  }
0x87: {  	_ =	shalt  }
.Lfunc_end0:
.L_simem_size_0:
called_computation.1_lowered:
.L_overlay_start_0:
0x88: {  	s2 =	sld [smem:$0x3FD9]  }
0x89: {  	s3 =	sld [smem:$0x3FFE];
	_ =	sdelay $0x1  }
0x8a: {  	s1 =	srdreg.scid  }
0x8b: {  	s0 =	sand.u32 $0x1, s1  }
0x8c: {  	s16 =	sshll.u32 s0, $0xA;
	s2 =	sadd.s32 s3, s2  }
0x8d: {  	s2 =	sadd.s32 s2, s16  }
0x8e: {  	[smem:$0x3FC0] =	sst s2  }
0x8f: {  	_ = 	snop  }
0x90: {  	(tm) =	ssettm $0x1  }
0x91: {  	s17 =	sld [smem:$0x3FFB];
	_ =	sdelay $0x3  }
0x92: {  	_ =	strace s17  }
0x93: {  	s2 =	sld [smem:$0x3FFC];
	_ =	sdelay $0x3  }
0x94: {  	_ =	strace s2  }
0x95: {  	s2 =	sld [smem:$0x3FFD];
	_ =	sdelay $0x3  }
0x96: {  	_ =	strace s2  }
0x97: {  	_ =	strace $0x8FFFFFFF  }
0x98: {  	s18 =	sld [smem:$0x3FDB];
	_ =	sdelay $0x1  }
0x99: {  	s19 =	simm.s32 $_scs_section_size  }
0x9a: {  	s4 =	simm.s32 $_size__tile_overlayer_lowered;
	s5 =	simm.s32 $_tile_overlayer_lowered  }
0x9b: {  	s22 =	simm.s32 $0x1BFF;
	s21 =	sshll.u32 s5, $0x1;
	s2 =	sadd.s32 s19, s18  }
0x9c: {  	s6 =	simm.s32 $0x0;
	s20 =	sshll.u32 s4, $0x1;
	s4 =	sadd.s32 s21, s2  }
0x9d: {  	[timem:s6], [sflag:s22] =	dma.local [hbm:s4], s20  }
0x9e: {  	_ =	swait.ge [sflag:s22], s20  }
0x9f: {  	s3 =	ssub.s32 $0x0, s20;
	[sflag:s22] =	ssyncset.done $0x0  }
0xa0: {  	[sflag:s22] =	ssyncadd.s32 s3;
	_ =	sdelay $0x1  }
0xa1: {  	s23 =	simm.s32 $0x1B8B  }
0xa2: {  	_ =	swait.ge [sflag:s23], $0x1  }
0xa3: {  	[sflag:s23] =	ssyncset.done $0x0  }
0xa4: {  	s25 =	simm.s32 $0x1B8E;
	s24 =	sld [smem:$0x3FFE];
	[sflag:s23] =	ssyncadd.s32 $0xFFFFFFFF  }
0xa5: {  	s26 =	simm.s32 $execute0_lowered;
	[smem:$0x3FD2] =	sst s25  }
0xa6: {  	s4 =	sshll.u32 s26, $0x1;
	_ =	strace $0x80000049;
	[dreg:$0x1] =	wrdreg $0xFFFFFFFF  }
0xa7: {  	s28 =	simm.s32 $_size_execute0_lowered;
	s2 =	sadd.s32 s2, s4;
	[dreg:$0x0] =	wrdreg $0x0  }
0xa8: {  	s4 =	sshll.u32 s28, $0x1;
	[dreg:$0x2] =	wrdreg s2  }
0xa9: {  	[dreg:$0x3] =	wrdreg s4  }
0xaa: {  	[dreg:$0x4] =	wrdreg $0xC0  }
0xab: {  	_ =	task [dreg:s6], $0x5FFFF  }
0xac: {  	[dreg:$0x1] =	wrdreg $0xFFFFFFFF  }
0xad: {  	[dreg:$0x0] =	wrdreg $0x60  }
0xae: {  	[dreg:$0x2] =	wrdreg s24  }
0xaf: {  	[dreg:$0x3] =	wrdreg $0x0  }
0xb0: {  	[dreg:$0x4] =	wrdreg $0x9  }
0xb1: {  	_ =	task.clear_ibuf [dreg:s6], $0x5FFFF;
	_ =	strace $0x90000049  }
0xb2: {  	s29 =	simm.s32 $0x9;
	_ =	strace $0x8000004B  }
0xb3: {  	_ =	swait.ge [sflag:s29], $0x1  }
0xb4: {  	[sflag:s29] =	ssyncadd.s32 $0xFFFFFFFF  }
0xb5: {  	_ =	strace $0x9000004B  }
0xb6: {  	_ =	sfence  }
0xb7: {  	s30 =	sld [smem:$0x0];
	_ =	sdelay $0x2  }
0xb8: {  	s31 =	sshll.u32 s1, $0xD;
	s1 =	sshrl.u32 s1, $0x2  }
0xb9: {  	s3 =	sand.u32 $0x4000, s31;
	s1 =	sadd.s32 s1, s30  }
0xba: {  	s0 =	sor.u32 s3, s0;
	s1 =	sshll.u32 s1, $0x11  }
0xbb: {  	s0 =	sor.u32 s1, s0  }
0xbc: {  	s0 =	sadd.s32 $0x8F2B, s0  }
0xbd: {  	[sflag:s0] =	ssyncadd.remote.s32 $0x1  }
0xbe: {  	_ =	sfence.sel $0xFFFF  }
0xbf: {  	[dreg:$0x0] =	wrdreg $0xFFFFFFFF;
	(pc) =	sbr.abs _section_cstart, $3  }
0xc0: {  	[dreg:$0x1] =	wrdreg $0xFFFFFFFF  }
0xc1: {  	_ =	task.clear_ibuf [dreg:s6], $0x2FFFF;
	_ =	strace $0x9FFFFFFF  }
0xc2: {  	(tm) =	ssettm $0x7FFFFFFF  }
0xc3: {  	_ =	shalt  }
tec
execute0_lowered:
.L_overlay_start_1:
0x0: {  	(tag) =	ssettag $0x1  }
0x1: {  	s0 =	rddreg [dreg:$0x0]  }
0x2: {  	s1 =	rddreg [dreg:$0x1];
	s2 =	srdreg.scid;
	s3 =	simm.s32 $0x0  }
0x3: {  	s5 =	stileid.u32;
	s16 =	simm.s32 $0x5;
	s17 =	simm.s32 $0x14000  }
0x4: {  	s18 =	simm.s32 $0x16780;
	s19 =	simm.s32 $0x80;
	s29 =	simm.s32 $0x16880  }
0x5: {  	s30 =	simm.s32 $0x10;
	s2 =	sand.u32 $0x1, s2;
	s7 =	smul.u32 $0x14000, s5  }
0x6: {  	[smem:$0x7FF] =	sst s3;
	s4 =	sadd.s32 $0x16000, s0;
	s9 =	smul.u32 $0x50000, s5  }
0x7: {  	s14 =	sadd.s32 $0x2600, s0;
	s8 =	sadd.s32 $0x3D200, s0;
	s23 =	smul.u32 $0x2710, s5  }
0x8: {  	s24 =	sshll.u32 s5, $0x6;
	s6 =	smul.u32 $0x140000, s2;
	_ =	strace $0x8000004A  }
0x9: {  	[dreg:$0x3] =	wrdreg s8;
	s20 =	sshll.u32 s2, $0x4;
	s21 =	ssub.s32 $0x2, s2  }
0xa: {  	s2 =	smul.u32 $0x27100, s2;
	s10 =	sshrl.u32 s21, $0x1;
	s22 =	sshrl.u32 s9, $0x2  }
0xb: {  	s6 =	sadd.s32 s7, s6;
	s7 =	sor.u32 s5, s20;
	s11 =	ssub.s32 s21, s10  }
0xc: {  	s15 =	sadd.s32 s22, s1;
	s2 =	sadd.s32 s23, s2;
	s20 =	simm.s32 $0x16900  }
0xd: {  	s21 =	simm.s32 $0x16800;
	s22 =	simm.s32 $0x1A900;
	s23 =	simm.s32 $0x1  }
0xe: {  	s6 =	sshrl.u32 s6, $0x3;
	s7 =	smul.u32 $0x2710, s7;
	s28 =	sadd.s32 $0x4E280, s2  }
0xf: {  	s11 =	smax.u32 s11, $0x1;
	s2 =	sadd.s32 $0x4E300, s2;
	s15 =	sshrl.u32 s15, $0x3  }
0x10: {  	s0 =	sadd.s32 s6, s0;
	s31 =	sshrl.u32 s2, $0x3;
	s7 =	sshrl.u32 s7, $0x3  }
0x11: {  	s10 =	sadd.s32 $0x3FA00, s0;
	s0 =	sshrl.u32 s28, $0x3;
	s6 =	sadd.s32 s14, s7  }
0x12: {  	s7 =	sor.u32 $0x1C05, s24;
	s13 =	sadd.s32 s0, s14;
	s14 =	sadd.s32 s31, s14  }
0x13: {  	s24 =	simm.s32 $0x3;
	s0 =	simm.s32 $0x0;
	s25 =	sadd.s32 $0x9C40, s6  }
0x14: {  	s26 =	sadd.s32 $0xA120, s6;
	s12 =	sadd.s32 $0xA110, s6;
	[dreg:$0x4] =	wrdreg s25  }
0x15: {  	[dreg:$0x5] =	wrdreg s26;
	s25 =	simm.s32 $0x2;
	s26 =	simm.s32 $0x4  }
.LBB2_1:
0x16: {  	s2 =	rddreg [dreg:$0x3]  }
0x17: {  	[spmem:s15], [sflag:s7] =	dma.local [hbm:s2], $0x2800  }
0x18: {  	_ =	swait.ge [sflag:s16], $0x2800  }
0x19: {  	[sflag:s16] =	ssyncset.done $0x0  }
0x1a: {  	[sflag:s16] =	ssyncadd.s32 $0xFFFFD800  }
0x1b: {  	[tilespmem:s17], [sflag:$0x5] =	stream.linear.gather [hbm4b:s6+s3], $0x2710, $0x38;
	[tilespmem:$0x1E900] =	vst v63  }
0x1c: {  	_ =	swait.ge [sflag:s16], $0x2710  }
0x1d: {  	[sflag:s16] =	ssyncset.done $0x0  }
0x1e: {  	[sflag:s16] =	ssyncadd.s32 $0xFFFFD8F0  }
0x1f: {  	[bflag:$0x0] =	sbarrier.arrive $0xFFFF  }
0x20: {  	s8 =	rddreg [dreg:$0x4]  }
0x21: {  	[tilespmem:s18], [sflag:$0x3] =	stream.linear.gather [hbm4b:s8+s3], $0x80, $0x38;
	[tilespmem:$0x1E900] =	vst v63  }
0x22: {  	_ = 	snop  }
0x23: {  	[tilespmem:s20], [sflag:$0x1] =	stream.indirect.gather [hbm4b:s4+s19], $0x80, s17, s19, $0xb8;
	[tilespmem:$0x1E900] =	vst v63  }
0x24: {  	s9 =	sadd.s32 $0x0, s13  }
0x25: {  	[tilespmem:s21], [sflag:$0x4] =	stream.linear.gather [hbm4b:s9+s3], $0x80, $0x38;
	[tilespmem:$0x1E900] =	vst v63  }
0x26: {  	s5 =	simm.s32 $0x14080  }
0x27: {  	[tilespmem:s22], [sflag:$0x2] =	stream.indirect.gather [hbm4b:s4+s19], $0x80, s5, s19, $0xb8;
	[tilespmem:$0x1E900] =	vst v63  }
0x28: {  	_ =	swait.ge [sflag:s23], $0x4000  }
0x29: {  	[sflag:s23] =	ssyncset.done $0x0  }
0x2a: {  	[sflag:s23] =	ssyncadd.s32 $0xFFFFC000  }
0x2b: {  	_ =	swait.ge [sflag:s24], $0x80  }
0x2c: {  	[sflag:s24] =	ssyncset.done $0x0  }
0x2d: {  	[sflag:s24] =	ssyncadd.s32 $0xFFFFFF80  }
0x2e: {  	[spmem:s1] =	stream.indirect.scatter.add.f32 [tilespmem:s20], [sflag:$0x5], $0x80, s18, s19, $0xb8;
	[tilespmem:$0x1E900] =	vst v63  }
0x2f: {  	_ =	swait.ge [sflag:s16], $0x4000  }
0x30: {  	[sflag:s16] =	ssyncset.done $0x0  }
0x31: {  	s8 =	sadd.s32 $0x0, s14;
	[sflag:s16] =	ssyncadd.s32 $0xFFFFC000  }
0x32: {  	[tilespmem:s18], [sflag:$0x3] =	stream.linear.gather [hbm4b:s8+s3], $0x80, $0x38;
	[tilespmem:$0x1E900] =	vst v63  }
0x33: {  	s9 =	simm.s32 $0x14100  }
0x34: {  	[tilespmem:s20], [sflag:$0x1] =	stream.indirect.gather [hbm4b:s4+s19], $0x80, s9, s19, $0xb8;
	[tilespmem:$0x1E900] =	vst v63  }
0x35: {  	_ =	swait.ge [sflag:s25], $0x4000  }
0x36: {  	[sflag:s25] =	ssyncset.done $0x0  }
0x37: {  	[sflag:s25] =	ssyncadd.s32 $0xFFFFC000  }
0x38: {  	_ =	swait.ge [sflag:s26], $0x80  }
0x39: {  	[sflag:s26] =	ssyncset.done $0x0  }
0x3a: {  	[sflag:s26] =	ssyncadd.s32 $0xFFFFFF80  }
0x3b: {  	[spmem:s1] =	stream.indirect.scatter.add.f32 [tilespmem:s22], [sflag:$0x5], $0x80, s21, s19, $0xb8;
	[tilespmem:$0x1E900] =	vst v63  }
0x3c: {  	s31 =	simm.s32 $0x40;
	_ =	swait.ge [sflag:s16], $0x4000  }
0x3d: {  	s28 =	simm.s32 $0x14180;
	s2 =	simm.s32 $0x20;
	[sflag:s16] =	ssyncset.done $0x0  }
.LBB2_2:
0x3e: {  	s5 =	sadd.s32 s2, s13  }
0x3f: {  	[sflag:s16] =	ssyncadd.s32 $0xFFFFC000;
	s8 =	smov.u32 s31;
	s9 =	sadd.s32 $0x20, s31  }
0x40: {  	[tilespmem:s21], [sflag:$0x4] =	stream.linear.gather [hbm4b:s5+s3], $0x80, $0x38;
	[tilespmem:$0x1E900] =	vst v63  }
0x41: {  	p0 =	sne.s32 s31, $0x4A0  }
0x42: {  	[tilespmem:s22], [sflag:$0x2] =	stream.indirect.gather [hbm4b:s4+s19], $0x80, s28, s19, $0xb8;
	[tilespmem:$0x1E900] =	vst v63  }
0x43: {  	_ =	swait.ge [sflag:s23], $0x4000  }
0x44: {  	[sflag:s23] =	ssyncset.done $0x0  }
0x45: {  	[sflag:s23] =	ssyncadd.s32 $0xFFFFC000  }
0x46: {  	_ =	swait.ge [sflag:s24], $0x80  }
0x47: {  	[sflag:s24] =	ssyncset.done $0x0  }
0x48: {  	[sflag:s24] =	ssyncadd.s32 $0xFFFFFF80  }
0x49: {  	[spmem:s1] =	stream.indirect.scatter.add.f32 [tilespmem:s20], [sflag:$0x5], $0x80, s18, s19, $0xb8;
	[tilespmem:$0x1E900] =	vst v63  }
0x4a: {  	_ =	swait.ge [sflag:s16], $0x4000  }
0x4b: {  	[sflag:s16] =	ssyncset.done $0x0  }
0x4c: {  	s5 =	sadd.s32 s2, s14;
	s2 =	smov.u32 s8;
	[sflag:s16] =	ssyncadd.s32 $0xFFFFC000  }
0x4d: {  	[tilespmem:s18], [sflag:$0x3] =	stream.linear.gather [hbm4b:s5+s3], $0x80, $0x38;
	[tilespmem:$0x1E900] =	vst v63  }
0x4e: {  	s5 =	sadd.s32 $0x80, s28  }
0x4f: {  	[tilespmem:s20], [sflag:$0x1] =	stream.indirect.gather [hbm4b:s4+s19], $0x80, s5, s19, $0xb8;
	[tilespmem:$0x1E900] =	vst v63  }
0x50: {  	_ =	swait.ge [sflag:s25], $0x4000  }
0x51: {  	[sflag:s25] =	ssyncset.done $0x0  }
0x52: {  	[sflag:s25] =	ssyncadd.s32 $0xFFFFC000  }
0x53: {  	_ =	swait.ge [sflag:s26], $0x80  }
.Ltmp0:
0x54: {  	[sflag:s26] =	ssyncset.done $0x0;
	(pc) =	sbr.rel @p0 .LBB2_2-.Ltmp0, $4  }
0x55: {  	[sflag:s26] =	ssyncadd.s32 $0xFFFFFF80  }
0x56: {  	[spmem:s1] =	stream.indirect.scatter.add.f32 [tilespmem:s22], [sflag:$0x5], $0x80, s21, s19, $0xb8;
	[tilespmem:$0x1E900] =	vst v63  }
0x57: {  	_ =	swait.ge [sflag:s16], $0x4000  }
0x58: {  	s31 =	smov.u32 s9;
	s28 =	sadd.s32 $0x100, s28;
	[sflag:s16] =	ssyncset.done $0x0  }
0x59: {  	s5 =	sadd.s32 s2, s13;
	[sflag:s16] =	ssyncadd.s32 $0xFFFFC000  }
0x5a: {  	[tilespmem:s21], [sflag:$0x4] =	stream.linear.gather [hbm4b:s5+s3], $0x80, $0x38;
	[tilespmem:$0x1E900] =	vst v63  }
0x5b: {  	_ = 	snop  }
0x5c: {  	[tilespmem:s22], [sflag:$0x2] =	stream.indirect.gather [hbm4b:s4+s19], $0x80, s28, s19, $0xb8;
	[tilespmem:$0x1E900] =	vst v63  }
0x5d: {  	_ =	swait.ge [sflag:s23], $0x4000  }
0x5e: {  	[sflag:s23] =	ssyncset.done $0x0  }
0x5f: {  	[sflag:s23] =	ssyncadd.s32 $0xFFFFC000  }
0x60: {  	_ =	swait.ge [sflag:s24], $0x80  }
0x61: {  	[sflag:s24] =	ssyncset.done $0x0  }
0x62: {  	[sflag:s24] =	ssyncadd.s32 $0xFFFFFF80  }
0x63: {  	[spmem:s1] =	stream.indirect.scatter.add.f32 [tilespmem:s20], [sflag:$0x5], $0x80, s18, s19, $0xb8;
	[tilespmem:$0x1E900] =	vst v63  }
0x64: {  	_ =	swait.ge [sflag:s16], $0x4000  }
0x65: {  	[sflag:s16] =	ssyncset.done $0x0  }
0x66: {  	s5 =	sadd.s32 s2, s14;
	[sflag:s16] =	ssyncadd.s32 $0xFFFFC000  }
0x67: {  	[tilespmem:s18], [sflag:$0x3] =	stream.linear.gather [hbm4b:s5+s3], $0x80, $0x38;
	[tilespmem:$0x1E900] =	vst v63  }
0x68: {  	s8 =	sadd.s32 $0x80, s28  }
0x69: {  	[tilespmem:s20], [sflag:$0x1] =	stream.indirect.gather [hbm4b:s4+s19], $0x80, s8, s19, $0xb8;
	[tilespmem:$0x1E900] =	vst v63  }
0x6a: {  	_ =	swait.ge [sflag:s25], $0x4000  }
0x6b: {  	[sflag:s25] =	ssyncset.done $0x0  }
0x6c: {  	[sflag:s25] =	ssyncadd.s32 $0xFFFFC000  }
0x6d: {  	_ =	swait.ge [sflag:s26], $0x80  }
0x6e: {  	[sflag:s26] =	ssyncset.done $0x0  }
0x6f: {  	[sflag:s26] =	ssyncadd.s32 $0xFFFFFF80  }
0x70: {  	[spmem:s1] =	stream.indirect.scatter.add.f32 [tilespmem:s22], [sflag:$0x5], $0x80, s21, s19, $0xb8;
	[tilespmem:$0x1E900] =	vst v63  }
0x71: {  	_ =	swait.ge [sflag:s16], $0x4000  }
0x72: {  	[sflag:s16] =	ssyncset.done $0x0  }
0x73: {  	[sflag:s16] =	ssyncadd.s32 $0xFFFFC000  }
0x74: {  	[tilespmem:s21], [sflag:$0x4] =	stream.linear.gather [hbm4b:s12+s3], $0x80, $0x38;
	[tilespmem:$0x1E900] =	vst v63  }
0x75: {  	s9 =	simm.s32 $0x16680  }
0x76: {  	[tilespmem:s22], [sflag:$0x2] =	stream.indirect.gather [hbm4b:s4+s19], $0x80, s9, s19, $0xb8;
	[tilespmem:$0x1E900] =	vst v63  }
0x77: {  	_ =	swait.ge [sflag:s23], $0x4000  }
0x78: {  	[sflag:s23] =	ssyncset.done $0x0  }
0x79: {  	[sflag:s23] =	ssyncadd.s32 $0xFFFFC000  }
0x7a: {  	_ =	swait.ge [sflag:s24], $0x80  }
0x7b: {  	[sflag:s24] =	ssyncset.done $0x0  }
0x7c: {  	[sflag:s24] =	ssyncadd.s32 $0xFFFFFF80  }
0x7d: {  	[spmem:s1] =	stream.indirect.scatter.add.f32 [tilespmem:s20], [sflag:$0x5], $0x80, s18, s19, $0xb8;
	[tilespmem:$0x1E900] =	vst v63  }
0x7e: {  	_ =	swait.ge [sflag:s16], $0x4000  }
0x7f: {  	[sflag:s16] =	ssyncset.done $0x0  }
0x80: {  	[sflag:s16] =	ssyncadd.s32 $0xFFFFC000  }
0x81: {  	_ =	swait.ge [sflag:s25], $0x4000  }
0x82: {  	[sflag:s25] =	ssyncset.done $0x0  }
0x83: {  	[sflag:s25] =	ssyncadd.s32 $0xFFFFC000  }
0x84: {  	_ =	swait.ge [sflag:s26], $0x80  }
0x85: {  	[sflag:s26] =	ssyncset.done $0x0  }
0x86: {  	[sflag:s26] =	ssyncadd.s32 $0xFFFFFF80  }
0x87: {  	[spmem:s1] =	stream.indirect.scatter.add.f32 [tilespmem:s22], [sflag:$0x5], $0x80, s21, s19, $0xb8;
	[tilespmem:$0x1E900] =	vst v63  }
0x88: {  	_ =	swait.ge [sflag:s16], $0x4000  }
0x89: {  	[sflag:s16] =	ssyncset.done $0x0  }
0x8a: {  	s28 =	rddreg [dreg:$0x5];
	[sflag:s16] =	ssyncadd.s32 $0xFFFFC000  }
0x8b: {  	[tilespmem:s29], [sflag:$0x5] =	stream.linear.gather [hbm4b:s28+s3], $0x10, $0x38;
	[tilespmem:$0x1E900] =	vst v63  }
0x8c: {  	_ =	swait.ge [sflag:s16], $0x10  }
0x8d: {  	[sflag:s16] =	ssyncset.done $0x0  }
0x8e: {  	s31 =	simm.s32 $0x16700;
	[sflag:s16] =	ssyncadd.s32 $0xFFFFFFF0  }
0x8f: {  	[tilespmem:s20], [sflag:$0x5] =	stream.indirect.gather [hbm4b:s4+s30], $0x80, s31, s30, $0xb8;
	[tilespmem:$0x1E900] =	vst v63  }
0x90: {  	_ =	swait.ge [sflag:s16], $0x800  }
0x91: {  	[sflag:s16] =	ssyncset.done $0x0  }
0x92: {  	[sflag:s16] =	ssyncadd.s32 $0xFFFFF800  }
0x93: {  	[spmem:s1] =	stream.indirect.scatter.add.f32 [tilespmem:s20], [sflag:$0x5], $0x80, s29, s30, $0xb8;
	[tilespmem:$0x1E900] =	vst v63  }
0x94: {  	_ =	swait.ge [sflag:s16], $0x800  }
0x95: {  	s0 =	sadd.s32 $0x1, s0;
	[sflag:s16] =	ssyncset.done $0x0  }
0x96: {  	p0 =	sne.s32 s0, s11;
	[sflag:s16] =	ssyncadd.s32 $0xFFFFF800  }
.Ltmp1:
0x97: {  	[bflag:$0x0] =	sbarrier.arrive $0xFFFF;
	(pc) =	sbr.rel @p0 .LBB2_1-.Ltmp1, $4  }
0x98: {  	[hbm:s10], [sflag:s7] =	dma.local [spmem:s15], $0x2800  }
0x99: {  	_ =	swait.ge [sflag:s16], $0x2800  }
0x9a: {  	[sflag:s16] =	ssyncset.done $0x0  }
0x9b: {  	[sflag:s16] =	ssyncadd.s32 $0xFFFFD800  }
0x9c: {  	_ =	sfence.sel $0x180000  }
0x9d: {  	[bflag:$0x0] =	sbarrier.arrive $0xFFFF  }
0x9e: {  	_ =	strace $0x9000004A  }
0x9f: {  	s0 =	stileid.u32;
	[bflag:$0x2] =	sbarrier.arrive $0xFFFF  }
0xa0: {  	p0 =	sne.s32 s0, $0x0;
	s0 =	rddreg [dreg:$0x2]  }
0xa1: {  	s0 =	sadd.s32 @!p0 $0x100000, s0  }
0xa2: {  	[sflag:s0] =	ssyncadd.tile.s32 @!p0 $0x1;
	_ =	shalt  }
.Lfunc_end2:
_tile_overlayer_lowered:
.L_overlay_start_2:
0xa3: {  	(tag) =	ssettag $0x2  }
0xa4: {  	s0 =	rddreg [dreg:$0x0];
	s2 =	stileid.u32  }
0xa5: {  	s1 =	rddreg [dreg:$0x1];
	p0 =	sne.s32 s2, $0x0  }
0xa6: {  	s3 =	rddreg [dreg:$0x2];
	[bflag:$0x3] =	sbarrier.arrive $0xFFFF;
	s2 =	simm.s32 @!p0 $0x1C05  }
0xa7: {  	[timem:s3], [sflag:s2] =	dma.local @!p0 [hbm:s0], s1  }
0xa8: {  	s0 =	simm.s32 @!p0 $0x5  }
0xa9: {  	_ =	swait.ge @!p0 [sflag:s0], s1  }
0xaa: {  	s1 =	ssub.s32 @!p0 $0x0, s1;
	[sflag:s0] =	ssyncset.done @!p0 $0x0  }
0xab: {  	[sflag:s0] =	ssyncadd.s32 @!p0 s1  }
0xac: {  	[bflag:$0x3] =	sbarrier.arrive $0xFFFF  }
0xad: {  	_ =	shalt  }

// kernel: kernel.14.cloned.1.call-start
scs
__scs_entry_jumppad:
0x0: {  	(pc) =	sbr.rel $0x88, $3  }
0x1: {  	(tag) =	ssettag $0x0;
	lr =	simm.s32 $0x1  }
0x2: {  	[smem:$0x3F99] =	sst lr;
	_ =	strace $0xD0000000  }
0x3: {  	_ = 	snop  }
0x4: {  	_ = 	snop  }
0x5: {  	_ = 	snop  }
0x6: {  	_ = 	snop  }
0x7: {  	_ = 	snop  }
__scs_overlays_trampoline_lowered:
0x8: {  	[smem:$0x3FA8] =	sst s0  }
0x9: {  	[smem:$0x3FA9] =	sst s1  }
0xa: {  	[smem:$0x3FAA] =	sst s2  }
0xb: {  	[smem:$0x3FAB] =	sst s3  }
0xc: {  	[smem:$0x3FAC] =	sst s4  }
0xd: {  	[smem:$0x3FAD] =	sst s5  }
0xe: {  	[smem:$0x3FAE] =	sst s6  }
0xf: {  	[smem:$0x3FAF] =	sst s7  }
0x10: {  	[smem:$0x3FB0] =	sst s8  }
0x11: {  	[smem:$0x3FB1] =	sst s9;
	s0 =	simm.s32 @!p0 $0x0  }
0x12: {  	s1 =	sld [smem:$0x3F97];
	s0 =	simm.s32 @p0 $0x1  }
0x13: {  	[smem:$0x3FB2] =	sst s0;
	s0 =	simm.s32 @!p1 $0x0  }
0x14: {  	s2 =	sld [smem:$0x3F96];
	s0 =	simm.s32 @p1 $0x1  }
0x15: {  	[smem:$0x3FB3] =	sst s0;
	s0 =	simm.s32 @!p2 $0x0  }
0x16: {  	s3 =	sld [smem:$0x3FDB];
	s0 =	simm.s32 @p2 $0x1  }
0x17: {  	s4 =	simm.s32 $0x1BF5;
	[smem:$0x3FB5] =	sst s0  }
0x18: {  	s0 =	sld [smem:$0x3F98];
	_ =	swait.ge [sflag:s4], $0x0  }
0x19: {  	s7 =	sld [smem:$0x3F99]  }
0x1a: {  	s8 =	sadd.s32 $0xFFFFE003, lr  }
0x1b: {  	s9 =	sadd.s32 $0xFFFFFEF7, lr;
	s5 =	simm.s32 $0xFFFFFFFF;
	p2 =	slt.u32 s8, $0xFFFFF086  }
0x1c: {  	p1 =	slt.u32 s9, $0xF7A;
	s5 =	simm.s32 @!p2 $0x0  }
0x1d: {  	s5 =	simm.s32 @p1 $0x1;
	p0 =	seq.s32 s7, s2  }
0x1e: {  	s7 =	smul.u32 @!p0 $0xF7A, s2;
	p2 =	seq.s32 @!p0 s5, $0x0  }
0x1f: {  	s9 =	smul.u32 $0xF7A, s1;
	s8 =	simm.s32 @!p0 $0x1BF5;
	p2 =	por !p2, p0  }
0x20: {  	[sflag:s8] =	ssyncset.s32 @!p0 $0xFFFFF086;
	s6 =	sadd.s32 @!p0 s3, s7;
	s7 =	simm.s32 @!p0 $0x108  }
0x21: {  	s3 =	sadd.s32 s3, s9;
	s6 =	sadd.s32 @!p0 $0x88, s6;
	s7 =	simm.s32 @p2 $0x1082  }
0x22: {  	[simem:s7], [sflag:s8] =	dma.local @!p0 [hbm:s6], $0xF7A  }
0x23: {  	s9 =	sor.u32 $0xD0000000, s2;
	s6 =	simm.s32 $0x108;
	_ =	swait.ge @!p0 [sflag:s8], $0x0  }
0x24: {  	s3 =	sadd.s32 $0x88, s3;
	s6 =	simm.s32 @!p1 $0x1082;
	[sflag:s4] =	ssyncset.s32 $0xFFFFF086  }
0x25: {  	[simem:s6], [sflag:s4] =	dma.local [hbm:s3], $0xF7A  }
0x26: {  	[smem:$0x3F99] =	sst s1;
	(tag) =	ssettag s2;
	_ =	strace s9  }
0x27: {  	s1 =	sld [smem:$0x3FA9]  }
0x28: {  	s2 =	sld [smem:$0x3FAA]  }
0x29: {  	s4 =	sld [smem:$0x3FAC]  }
0x2a: {  	p0 =	seq.s32 s5, $0x0;
	s5 =	sld [smem:$0x3FAD]  }
0x2b: {  	s6 =	sld [smem:$0x3FAE]  }
0x2c: {  	s7 =	sld [smem:$0x3FAF]  }
0x2d: {  	s3 =	simm.s32 $0x108;
	s8 =	sld [smem:$0x3FB0]  }
0x2e: {  	s3 =	simm.s32 @!p0 $0x1082;
	s9 =	sld [smem:$0x3FB1]  }
0x2f: {  	lr =	sadd.s32 s0, s3;
	s0 =	sld [smem:$0x3FA8]  }
0x30: {  	s3 =	sld [smem:$0x3FAB]  }
0x31: {  	[smem:$0x3FB4] =	sst s10  }
0x32: {  	s10 =	sld [smem:$0x3FB2];
	_ =	sdelay $0x3  }
0x33: {  	p0 =	seq.s32 s10, $0x1;
	s10 =	sld [smem:$0x3FB4];
	_ =	sdelay $0x3  }
0x34: {  	[smem:$0x3FB4] =	sst s10  }
0x35: {  	s10 =	sld [smem:$0x3FB3];
	_ =	sdelay $0x3  }
0x36: {  	p1 =	seq.s32 s10, $0x1;
	s10 =	sld [smem:$0x3FB4];
	_ =	sdelay $0x3  }
0x37: {  	[smem:$0x3FB4] =	sst s10  }
0x38: {  	s10 =	sld [smem:$0x3FB5]  }
0x39: {  	_ = 	snop;
	(pc) =	sbr.ind lr, $3  }
0x3a: {  	_ = 	snop  }
0x3b: {  	_ = 	snop  }
0x3c: {  	p2 =	seq.s32 s10, $0x1;
	s10 =	sld [smem:$0x3FB4]  }
0x3d: {  	_ =	shalt  }
0x3e: {  	_ =	shalt  }
0x3f: {  	_ =	shalt  }
0x40: {  	_ =	shalt  }
0x41: {  	_ =	shalt  }
0x42: {  	_ =	shalt  }
0x43: {  	_ =	shalt  }
0x44: {  	_ =	shalt  }
0x45: {  	_ =	shalt  }
0x46: {  	_ =	shalt  }
0x47: {  	_ =	shalt  }
0x48: {  	_ =	shalt  }
0x49: {  	_ =	shalt  }
0x4a: {  	_ =	shalt  }
0x4b: {  	_ =	shalt  }
0x4c: {  	_ =	shalt  }
0x4d: {  	_ =	shalt  }
0x4e: {  	_ =	shalt  }
0x4f: {  	_ =	shalt  }
0x50: {  	_ =	shalt  }
0x51: {  	_ =	shalt  }
0x52: {  	_ =	shalt  }
0x53: {  	_ =	shalt  }
0x54: {  	_ =	shalt  }
0x55: {  	_ =	shalt  }
0x56: {  	_ =	shalt  }
0x57: {  	_ =	shalt  }
0x58: {  	_ =	shalt  }
0x59: {  	_ =	shalt  }
0x5a: {  	_ =	shalt  }
0x5b: {  	_ =	shalt  }
0x5c: {  	_ =	shalt  }
0x5d: {  	_ =	shalt  }
0x5e: {  	_ =	shalt  }
0x5f: {  	_ =	shalt  }
0x60: {  	_ =	shalt  }
0x61: {  	_ =	shalt  }
0x62: {  	_ =	shalt  }
0x63: {  	_ =	shalt  }
0x64: {  	_ =	shalt  }
0x65: {  	_ =	shalt  }
0x66: {  	_ =	shalt  }
0x67: {  	_ =	shalt  }
0x68: {  	_ =	shalt  }
0x69: {  	_ =	shalt  }
0x6a: {  	_ =	shalt  }
0x6b: {  	_ =	shalt  }
0x6c: {  	_ =	shalt  }
0x6d: {  	_ =	shalt  }
0x6e: {  	_ =	shalt  }
0x6f: {  	_ =	shalt  }
0x70: {  	_ =	shalt  }
0x71: {  	_ =	shalt  }
0x72: {  	_ =	shalt  }
0x73: {  	_ =	shalt  }
0x74: {  	_ =	shalt  }
0x75: {  	_ =	shalt  }
0x76: {  	_ =	shalt  }
0x77: {  	_ =	shalt  }
0x78: {  	_ =	shalt  }
0x79: {  	_ =	shalt  }
0x7a: {  	_ =	shalt  }
0x7b: {  	_ =	shalt  }
0x7c: {  	_ =	shalt  }
0x7d: {  	_ =	shalt  }
0x7e: {  	_ =	shalt  }
0x7f: {  	_ =	shalt  }
0x80: {  	_ =	shalt  }
0x81: {  	_ =	shalt  }
0x82: {  	_ =	shalt  }
0x83: {  	_ =	shalt  }
0x84: {  	_ =	shalt  }
0x85: {  	_ =	shalt  }
0x86: {  	_ =	shalt  }
0x87: {  	_ =	shalt  }
.Lfunc_end0:
.L_simem_size_0:
called_computation.2_lowered:
.L_overlay_start_0:
0x88: {  	s2 =	sld [smem:$0x3FD9]  }
0x89: {  	s3 =	sld [smem:$0x3FFE];
	_ =	sdelay $0x1  }
0x8a: {  	s1 =	srdreg.scid  }
0x8b: {  	s0 =	sand.u32 $0x1, s1  }
0x8c: {  	s16 =	sshll.u32 s0, $0xA;
	s2 =	sadd.s32 s3, s2  }
0x8d: {  	s2 =	sadd.s32 s2, s16  }
0x8e: {  	[smem:$0x3FC0] =	sst s2  }
0x8f: {  	_ = 	snop  }
0x90: {  	(tm) =	ssettm $0x1  }
0x91: {  	s17 =	sld [smem:$0x3FFB];
	_ =	sdelay $0x3  }
0x92: {  	_ =	strace s17  }
0x93: {  	s2 =	sld [smem:$0x3FFC];
	_ =	sdelay $0x3  }
0x94: {  	_ =	strace s2  }
0x95: {  	s2 =	sld [smem:$0x3FFD];
	_ =	sdelay $0x3  }
0x96: {  	_ =	strace s2  }
0x97: {  	_ =	strace $0x8FFFFFFF  }
0x98: {  	s18 =	sld [smem:$0x3FDB];
	_ =	sdelay $0x1  }
0x99: {  	s19 =	simm.s32 $_scs_section_size  }
0x9a: {  	s4 =	simm.s32 $_size__tile_overlayer_lowered;
	s5 =	simm.s32 $_tile_overlayer_lowered  }
0x9b: {  	s22 =	simm.s32 $0x1BFF;
	s21 =	sshll.u32 s5, $0x1;
	s2 =	sadd.s32 s19, s18  }
0x9c: {  	s6 =	simm.s32 $0x0;
	s20 =	sshll.u32 s4, $0x1;
	s4 =	sadd.s32 s21, s2  }
0x9d: {  	[timem:s6], [sflag:s22] =	dma.local [hbm:s4], s20  }
0x9e: {  	_ =	swait.ge [sflag:s22], s20  }
0x9f: {  	s3 =	ssub.s32 $0x0, s20;
	[sflag:s22] =	ssyncset.done $0x0  }
0xa0: {  	[sflag:s22] =	ssyncadd.s32 s3;
	_ =	sdelay $0x1  }
0xa1: {  	s23 =	simm.s32 $0x1B8B  }
0xa2: {  	_ =	swait.ge [sflag:s23], $0x1  }
0xa3: {  	[sflag:s23] =	ssyncset.done $0x0  }
0xa4: {  	s25 =	simm.s32 $0x1B8E;
	s24 =	sld [smem:$0x3FFE];
	[sflag:s23] =	ssyncadd.s32 $0xFFFFFFFF  }
0xa5: {  	s26 =	simm.s32 $execute0_lowered;
	[smem:$0x3FD2] =	sst s25  }
0xa6: {  	s4 =	sshll.u32 s26, $0x1;
	_ =	strace $0x8000004C;
	[dreg:$0x1] =	wrdreg $0xFFFFFFFF  }
0xa7: {  	s28 =	simm.s32 $_size_execute0_lowered;
	s2 =	sadd.s32 s2, s4;
	[dreg:$0x0] =	wrdreg $0x0  }
0xa8: {  	s4 =	sshll.u32 s28, $0x1;
	[dreg:$0x2] =	wrdreg s2  }
0xa9: {  	[dreg:$0x3] =	wrdreg s4  }
0xaa: {  	[dreg:$0x4] =	wrdreg $0xC0  }
0xab: {  	_ =	task [dreg:s6], $0x5FFFF  }
0xac: {  	[dreg:$0x1] =	wrdreg $0xFFFFFFFF  }
0xad: {  	[dreg:$0x0] =	wrdreg $0x60  }
0xae: {  	[dreg:$0x2] =	wrdreg s24  }
0xaf: {  	[dreg:$0x3] =	wrdreg $0x0  }
0xb0: {  	[dreg:$0x4] =	wrdreg $0x9  }
0xb1: {  	_ =	task.clear_ibuf [dreg:s6], $0x5FFFF;
	_ =	strace $0x9000004C  }
0xb2: {  	s29 =	simm.s32 $0x9;
	_ =	strace $0x8000004E  }
0xb3: {  	_ =	swait.ge [sflag:s29], $0x1  }
0xb4: {  	[sflag:s29] =	ssyncadd.s32 $0xFFFFFFFF  }
0xb5: {  	_ =	strace $0x9000004E  }
0xb6: {  	_ =	sfence  }
0xb7: {  	s30 =	sld [smem:$0x0];
	_ =	sdelay $0x2  }
0xb8: {  	s31 =	sshll.u32 s1, $0xD;
	s1 =	sshrl.u32 s1, $0x2  }
0xb9: {  	s3 =	sand.u32 $0x4000, s31;
	s1 =	sadd.s32 s1, s30  }
0xba: {  	s0 =	sor.u32 s3, s0;
	s1 =	sshll.u32 s1, $0x11  }
0xbb: {  	s0 =	sor.u32 s1, s0  }
0xbc: {  	s0 =	sadd.s32 $0x8F2B, s0  }
0xbd: {  	[sflag:s0] =	ssyncadd.remote.s32 $0x1  }
0xbe: {  	_ =	sfence.sel $0xFFFF  }
0xbf: {  	[dreg:$0x0] =	wrdreg $0xFFFFFFFF;
	(pc) =	sbr.abs _section_cstart, $3  }
0xc0: {  	[dreg:$0x1] =	wrdreg $0xFFFFFFFF  }
0xc1: {  	_ =	task.clear_ibuf [dreg:s6], $0x2FFFF;
	_ =	strace $0x9FFFFFFF  }
0xc2: {  	(tm) =	ssettm $0x7FFFFFFF  }
0xc3: {  	_ =	shalt  }
tec
execute0_lowered:
.L_overlay_start_1:
0x0: {  	(tag) =	ssettag $0x1  }
0x1: {  	s0 =	rddreg [dreg:$0x0]  }
0x2: {  	s1 =	rddreg [dreg:$0x1];
	s2 =	srdreg.scid;
	s3 =	simm.s32 $0x0  }
0x3: {  	s5 =	stileid.u32;
	s16 =	simm.s32 $0x5;
	s17 =	simm.s32 $0x14000  }
0x4: {  	s18 =	simm.s32 $0x16780;
	s19 =	simm.s32 $0x80;
	s29 =	simm.s32 $0x16880  }
0x5: {  	s30 =	simm.s32 $0x10;
	s2 =	sand.u32 $0x1, s2;
	s7 =	smul.u32 $0x14000, s5  }
0x6: {  	[smem:$0x7FF] =	sst s3;
	s4 =	sadd.s32 $0x16000, s0;
	s9 =	smul.u32 $0x50000, s5  }
0x7: {  	s14 =	sadd.s32 $0x2600, s0;
	s8 =	sadd.s32 $0x3D200, s0;
	s23 =	smul.u32 $0x2710, s5  }
0x8: {  	s24 =	sshll.u32 s5, $0x6;
	s6 =	smul.u32 $0x140000, s2;
	_ =	strace $0x8000004D  }
0x9: {  	[dreg:$0x3] =	wrdreg s8;
	s20 =	sshll.u32 s2, $0x4;
	s21 =	ssub.s32 $0x2, s2  }
0xa: {  	s2 =	smul.u32 $0x27100, s2;
	s10 =	sshrl.u32 s21, $0x1;
	s22 =	sshrl.u32 s9, $0x2  }
0xb: {  	s6 =	sadd.s32 s7, s6;
	s7 =	sor.u32 s5, s20;
	s11 =	ssub.s32 s21, s10  }
0xc: {  	s15 =	sadd.s32 s22, s1;
	s2 =	sadd.s32 s23, s2;
	s20 =	simm.s32 $0x16900  }
0xd: {  	s21 =	simm.s32 $0x16800;
	s22 =	simm.s32 $0x1A900;
	s23 =	simm.s32 $0x1  }
0xe: {  	s6 =	sshrl.u32 s6, $0x3;
	s7 =	smul.u32 $0x2710, s7;
	s28 =	sadd.s32 $0x4E280, s2  }
0xf: {  	s11 =	smax.u32 s11, $0x1;
	s2 =	sadd.s32 $0x4E300, s2;
	s15 =	sshrl.u32 s15, $0x3  }
0x10: {  	s0 =	sadd.s32 s6, s0;
	s31 =	sshrl.u32 s2, $0x3;
	s7 =	sshrl.u32 s7, $0x3  }
0x11: {  	s10 =	sadd.s32 $0x3FA00, s0;
	s0 =	sshrl.u32 s28, $0x3;
	s6 =	sadd.s32 s14, s7  }
0x12: {  	s7 =	sor.u32 $0x1C05, s24;
	s13 =	sadd.s32 s0, s14;
	s14 =	sadd.s32 s31, s14  }
0x13: {  	s24 =	simm.s32 $0x3;
	s0 =	simm.s32 $0x0;
	s25 =	sadd.s32 $0x9C40, s6  }
0x14: {  	s26 =	sadd.s32 $0xA120, s6;
	s12 =	sadd.s32 $0xA110, s6;
	[dreg:$0x4] =	wrdreg s25  }
0x15: {  	[dreg:$0x5] =	wrdreg s26;
	s25 =	simm.s32 $0x2;
	s26 =	simm.s32 $0x4  }
.LBB2_1:
0x16: {  	s2 =	rddreg [dreg:$0x3]  }
0x17: {  	[spmem:s15], [sflag:s7] =	dma.local [hbm:s2], $0x2800  }
0x18: {  	_ =	swait.ge [sflag:s16], $0x2800  }
0x19: {  	[sflag:s16] =	ssyncset.done $0x0  }
0x1a: {  	[sflag:s16] =	ssyncadd.s32 $0xFFFFD800  }
0x1b: {  	[tilespmem:s17], [sflag:$0x5] =	stream.linear.gather [hbm4b:s6+s3], $0x2710, $0x38;
	[tilespmem:$0x1E900] =	vst v63  }
0x1c: {  	_ =	swait.ge [sflag:s16], $0x2710  }
0x1d: {  	[sflag:s16] =	ssyncset.done $0x0  }
0x1e: {  	[sflag:s16] =	ssyncadd.s32 $0xFFFFD8F0  }
0x1f: {  	[bflag:$0x0] =	sbarrier.arrive $0xFFFF  }
0x20: {  	s8 =	rddreg [dreg:$0x4]  }
0x21: {  	[tilespmem:s18], [sflag:$0x3] =	stream.linear.gather [hbm4b:s8+s3], $0x80, $0x38;
	[tilespmem:$0x1E900] =	vst v63  }
0x22: {  	_ = 	snop  }
0x23: {  	[tilespmem:s20], [sflag:$0x1] =	stream.indirect.gather [hbm4b:s4+s19], $0x80, s17, s19, $0xb8;
	[tilespmem:$0x1E900] =	vst v63  }
0x24: {  	s9 =	sadd.s32 $0x0, s13  }
0x25: {  	[tilespmem:s21], [sflag:$0x4] =	stream.linear.gather [hbm4b:s9+s3], $0x80, $0x38;
	[tilespmem:$0x1E900] =	vst v63  }
0x26: {  	s5 =	simm.s32 $0x14080  }
0x27: {  	[tilespmem:s22], [sflag:$0x2] =	stream.indirect.gather [hbm4b:s4+s19], $0x80, s5, s19, $0xb8;
	[tilespmem:$0x1E900] =	vst v63  }
0x28: {  	_ =	swait.ge [sflag:s23], $0x4000  }
0x29: {  	[sflag:s23] =	ssyncset.done $0x0  }
0x2a: {  	[sflag:s23] =	ssyncadd.s32 $0xFFFFC000  }
0x2b: {  	_ =	swait.ge [sflag:s24], $0x80  }
0x2c: {  	[sflag:s24] =	ssyncset.done $0x0  }
0x2d: {  	[sflag:s24] =	ssyncadd.s32 $0xFFFFFF80  }
0x2e: {  	[spmem:s1] =	stream.indirect.scatter.add.f32 [tilespmem:s20], [sflag:$0x5], $0x80, s18, s19, $0xb8;
	[tilespmem:$0x1E900] =	vst v63  }
0x2f: {  	_ =	swait.ge [sflag:s16], $0x4000  }
0x30: {  	[sflag:s16] =	ssyncset.done $0x0  }
0x31: {  	s8 =	sadd.s32 $0x0, s14;
	[sflag:s16] =	ssyncadd.s32 $0xFFFFC000  }
0x32: {  	[tilespmem:s18], [sflag:$0x3] =	stream.linear.gather [hbm4b:s8+s3], $0x80, $0x38;
	[tilespmem:$0x1E900] =	vst v63  }
0x33: {  	s9 =	simm.s32 $0x14100  }
0x34: {  	[tilespmem:s20], [sflag:$0x1] =	stream.indirect.gather [hbm4b:s4+s19], $0x80, s9, s19, $0xb8;
	[tilespmem:$0x1E900] =	vst v63  }
0x35: {  	_ =	swait.ge [sflag:s25], $0x4000  }
0x36: {  	[sflag:s25] =	ssyncset.done $0x0  }
0x37: {  	[sflag:s25] =	ssyncadd.s32 $0xFFFFC000  }
0x38: {  	_ =	swait.ge [sflag:s26], $0x80  }
0x39: {  	[sflag:s26] =	ssyncset.done $0x0  }
0x3a: {  	[sflag:s26] =	ssyncadd.s32 $0xFFFFFF80  }
0x3b: {  	[spmem:s1] =	stream.indirect.scatter.add.f32 [tilespmem:s22], [sflag:$0x5], $0x80, s21, s19, $0xb8;
	[tilespmem:$0x1E900] =	vst v63  }
0x3c: {  	s31 =	simm.s32 $0x40;
	_ =	swait.ge [sflag:s16], $0x4000  }
0x3d: {  	s28 =	simm.s32 $0x14180;
	s2 =	simm.s32 $0x20;
	[sflag:s16] =	ssyncset.done $0x0  }
.LBB2_2:
0x3e: {  	s5 =	sadd.s32 s2, s13  }
0x3f: {  	[sflag:s16] =	ssyncadd.s32 $0xFFFFC000;
	s8 =	smov.u32 s31;
	s9 =	sadd.s32 $0x20, s31  }
0x40: {  	[tilespmem:s21], [sflag:$0x4] =	stream.linear.gather [hbm4b:s5+s3], $0x80, $0x38;
	[tilespmem:$0x1E900] =	vst v63  }
0x41: {  	p0 =	sne.s32 s31, $0x4A0  }
0x42: {  	[tilespmem:s22], [sflag:$0x2] =	stream.indirect.gather [hbm4b:s4+s19], $0x80, s28, s19, $0xb8;
	[tilespmem:$0x1E900] =	vst v63  }
0x43: {  	_ =	swait.ge [sflag:s23], $0x4000  }
0x44: {  	[sflag:s23] =	ssyncset.done $0x0  }
0x45: {  	[sflag:s23] =	ssyncadd.s32 $0xFFFFC000  }
0x46: {  	_ =	swait.ge [sflag:s24], $0x80  }
0x47: {  	[sflag:s24] =	ssyncset.done $0x0  }
0x48: {  	[sflag:s24] =	ssyncadd.s32 $0xFFFFFF80  }
0x49: {  	[spmem:s1] =	stream.indirect.scatter.add.f32 [tilespmem:s20], [sflag:$0x5], $0x80, s18, s19, $0xb8;
	[tilespmem:$0x1E900] =	vst v63  }
0x4a: {  	_ =	swait.ge [sflag:s16], $0x4000  }
0x4b: {  	[sflag:s16] =	ssyncset.done $0x0  }
0x4c: {  	s5 =	sadd.s32 s2, s14;
	s2 =	smov.u32 s8;
	[sflag:s16] =	ssyncadd.s32 $0xFFFFC000  }
0x4d: {  	[tilespmem:s18], [sflag:$0x3] =	stream.linear.gather [hbm4b:s5+s3], $0x80, $0x38;
	[tilespmem:$0x1E900] =	vst v63  }
0x4e: {  	s5 =	sadd.s32 $0x80, s28  }
0x4f: {  	[tilespmem:s20], [sflag:$0x1] =	stream.indirect.gather [hbm4b:s4+s19], $0x80, s5, s19, $0xb8;
	[tilespmem:$0x1E900] =	vst v63  }
0x50: {  	_ =	swait.ge [sflag:s25], $0x4000  }
0x51: {  	[sflag:s25] =	ssyncset.done $0x0  }
0x52: {  	[sflag:s25] =	ssyncadd.s32 $0xFFFFC000  }
0x53: {  	_ =	swait.ge [sflag:s26], $0x80  }
.Ltmp0:
0x54: {  	[sflag:s26] =	ssyncset.done $0x0;
	(pc) =	sbr.rel @p0 .LBB2_2-.Ltmp0, $4  }
0x55: {  	[sflag:s26] =	ssyncadd.s32 $0xFFFFFF80  }
0x56: {  	[spmem:s1] =	stream.indirect.scatter.add.f32 [tilespmem:s22], [sflag:$0x5], $0x80, s21, s19, $0xb8;
	[tilespmem:$0x1E900] =	vst v63  }
0x57: {  	_ =	swait.ge [sflag:s16], $0x4000  }
0x58: {  	s31 =	smov.u32 s9;
	s28 =	sadd.s32 $0x100, s28;
	[sflag:s16] =	ssyncset.done $0x0  }
0x59: {  	s5 =	sadd.s32 s2, s13;
	[sflag:s16] =	ssyncadd.s32 $0xFFFFC000  }
0x5a: {  	[tilespmem:s21], [sflag:$0x4] =	stream.linear.gather [hbm4b:s5+s3], $0x80, $0x38;
	[tilespmem:$0x1E900] =	vst v63  }
0x5b: {  	_ = 	snop  }
0x5c: {  	[tilespmem:s22], [sflag:$0x2] =	stream.indirect.gather [hbm4b:s4+s19], $0x80, s28, s19, $0xb8;
	[tilespmem:$0x1E900] =	vst v63  }
0x5d: {  	_ =	swait.ge [sflag:s23], $0x4000  }
0x5e: {  	[sflag:s23] =	ssyncset.done $0x0  }
0x5f: {  	[sflag:s23] =	ssyncadd.s32 $0xFFFFC000  }
0x60: {  	_ =	swait.ge [sflag:s24], $0x80  }
0x61: {  	[sflag:s24] =	ssyncset.done $0x0  }
0x62: {  	[sflag:s24] =	ssyncadd.s32 $0xFFFFFF80  }
0x63: {  	[spmem:s1] =	stream.indirect.scatter.add.f32 [tilespmem:s20], [sflag:$0x5], $0x80, s18, s19, $0xb8;
	[tilespmem:$0x1E900] =	vst v63  }
0x64: {  	_ =	swait.ge [sflag:s16], $0x4000  }
0x65: {  	[sflag:s16] =	ssyncset.done $0x0  }
0x66: {  	s5 =	sadd.s32 s2, s14;
	[sflag:s16] =	ssyncadd.s32 $0xFFFFC000  }
0x67: {  	[tilespmem:s18], [sflag:$0x3] =	stream.linear.gather [hbm4b:s5+s3], $0x80, $0x38;
	[tilespmem:$0x1E900] =	vst v63  }
0x68: {  	s8 =	sadd.s32 $0x80, s28  }
0x69: {  	[tilespmem:s20], [sflag:$0x1] =	stream.indirect.gather [hbm4b:s4+s19], $0x80, s8, s19, $0xb8;
	[tilespmem:$0x1E900] =	vst v63  }
0x6a: {  	_ =	swait.ge [sflag:s25], $0x4000  }
0x6b: {  	[sflag:s25] =	ssyncset.done $0x0  }
0x6c: {  	[sflag:s25] =	ssyncadd.s32 $0xFFFFC000  }
0x6d: {  	_ =	swait.ge [sflag:s26], $0x80  }
0x6e: {  	[sflag:s26] =	ssyncset.done $0x0  }
0x6f: {  	[sflag:s26] =	ssyncadd.s32 $0xFFFFFF80  }
0x70: {  	[spmem:s1] =	stream.indirect.scatter.add.f32 [tilespmem:s22], [sflag:$0x5], $0x80, s21, s19, $0xb8;
	[tilespmem:$0x1E900] =	vst v63  }
0x71: {  	_ =	swait.ge [sflag:s16], $0x4000  }
0x72: {  	[sflag:s16] =	ssyncset.done $0x0  }
0x73: {  	[sflag:s16] =	ssyncadd.s32 $0xFFFFC000  }
0x74: {  	[tilespmem:s21], [sflag:$0x4] =	stream.linear.gather [hbm4b:s12+s3], $0x80, $0x38;
	[tilespmem:$0x1E900] =	vst v63  }
0x75: {  	s9 =	simm.s32 $0x16680  }
0x76: {  	[tilespmem:s22], [sflag:$0x2] =	stream.indirect.gather [hbm4b:s4+s19], $0x80, s9, s19, $0xb8;
	[tilespmem:$0x1E900] =	vst v63  }
0x77: {  	_ =	swait.ge [sflag:s23], $0x4000  }
0x78: {  	[sflag:s23] =	ssyncset.done $0x0  }
0x79: {  	[sflag:s23] =	ssyncadd.s32 $0xFFFFC000  }
0x7a: {  	_ =	swait.ge [sflag:s24], $0x80  }
0x7b: {  	[sflag:s24] =	ssyncset.done $0x0  }
0x7c: {  	[sflag:s24] =	ssyncadd.s32 $0xFFFFFF80  }
0x7d: {  	[spmem:s1] =	stream.indirect.scatter.add.f32 [tilespmem:s20], [sflag:$0x5], $0x80, s18, s19, $0xb8;
	[tilespmem:$0x1E900] =	vst v63  }
0x7e: {  	_ =	swait.ge [sflag:s16], $0x4000  }
0x7f: {  	[sflag:s16] =	ssyncset.done $0x0  }
0x80: {  	[sflag:s16] =	ssyncadd.s32 $0xFFFFC000  }
0x81: {  	_ =	swait.ge [sflag:s25], $0x4000  }
0x82: {  	[sflag:s25] =	ssyncset.done $0x0  }
0x83: {  	[sflag:s25] =	ssyncadd.s32 $0xFFFFC000  }
0x84: {  	_ =	swait.ge [sflag:s26], $0x80  }
0x85: {  	[sflag:s26] =	ssyncset.done $0x0  }
0x86: {  	[sflag:s26] =	ssyncadd.s32 $0xFFFFFF80  }
0x87: {  	[spmem:s1] =	stream.indirect.scatter.add.f32 [tilespmem:s22], [sflag:$0x5], $0x80, s21, s19, $0xb8;
	[tilespmem:$0x1E900] =	vst v63  }
0x88: {  	_ =	swait.ge [sflag:s16], $0x4000  }
0x89: {  	[sflag:s16] =	ssyncset.done $0x0  }
0x8a: {  	s28 =	rddreg [dreg:$0x5];
	[sflag:s16] =	ssyncadd.s32 $0xFFFFC000  }
0x8b: {  	[tilespmem:s29], [sflag:$0x5] =	stream.linear.gather [hbm4b:s28+s3], $0x10, $0x38;
	[tilespmem:$0x1E900] =	vst v63  }
0x8c: {  	_ =	swait.ge [sflag:s16], $0x10  }
0x8d: {  	[sflag:s16] =	ssyncset.done $0x0  }
0x8e: {  	s31 =	simm.s32 $0x16700;
	[sflag:s16] =	ssyncadd.s32 $0xFFFFFFF0  }
0x8f: {  	[tilespmem:s20], [sflag:$0x5] =	stream.indirect.gather [hbm4b:s4+s30], $0x80, s31, s30, $0xb8;
	[tilespmem:$0x1E900] =	vst v63  }
0x90: {  	_ =	swait.ge [sflag:s16], $0x800  }
0x91: {  	[sflag:s16] =	ssyncset.done $0x0  }
0x92: {  	[sflag:s16] =	ssyncadd.s32 $0xFFFFF800  }
0x93: {  	[spmem:s1] =	stream.indirect.scatter.add.f32 [tilespmem:s20], [sflag:$0x5], $0x80, s29, s30, $0xb8;
	[tilespmem:$0x1E900] =	vst v63  }
0x94: {  	_ =	swait.ge [sflag:s16], $0x800  }
0x95: {  	s0 =	sadd.s32 $0x1, s0;
	[sflag:s16] =	ssyncset.done $0x0  }
0x96: {  	p0 =	sne.s32 s0, s11;
	[sflag:s16] =	ssyncadd.s32 $0xFFFFF800  }
.Ltmp1:
0x97: {  	[bflag:$0x0] =	sbarrier.arrive $0xFFFF;
	(pc) =	sbr.rel @p0 .LBB2_1-.Ltmp1, $4  }
0x98: {  	[hbm:s10], [sflag:s7] =	dma.local [spmem:s15], $0x2800  }
0x99: {  	_ =	swait.ge [sflag:s16], $0x2800  }
0x9a: {  	[sflag:s16] =	ssyncset.done $0x0  }
0x9b: {  	[sflag:s16] =	ssyncadd.s32 $0xFFFFD800  }
0x9c: {  	_ =	sfence.sel $0x180000  }
0x9d: {  	[bflag:$0x0] =	sbarrier.arrive $0xFFFF  }
0x9e: {  	_ =	strace $0x9000004D  }
0x9f: {  	s0 =	stileid.u32;
	[bflag:$0x2] =	sbarrier.arrive $0xFFFF  }
0xa0: {  	p0 =	sne.s32 s0, $0x0;
	s0 =	rddreg [dreg:$0x2]  }
0xa1: {  	s0 =	sadd.s32 @!p0 $0x100000, s0  }
0xa2: {  	[sflag:s0] =	ssyncadd.tile.s32 @!p0 $0x1;
	_ =	shalt  }
.Lfunc_end2:
_tile_overlayer_lowered:
.L_overlay_start_2:
0xa3: {  	(tag) =	ssettag $0x2  }
0xa4: {  	s0 =	rddreg [dreg:$0x0];
	s2 =	stileid.u32  }
0xa5: {  	s1 =	rddreg [dreg:$0x1];
	p0 =	sne.s32 s2, $0x0  }
0xa6: {  	s3 =	rddreg [dreg:$0x2];
	[bflag:$0x3] =	sbarrier.arrive $0xFFFF;
	s2 =	simm.s32 @!p0 $0x1C05  }
0xa7: {  	[timem:s3], [sflag:s2] =	dma.local @!p0 [hbm:s0], s1  }
0xa8: {  	s0 =	simm.s32 @!p0 $0x5  }
0xa9: {  	_ =	swait.ge @!p0 [sflag:s0], s1  }
0xaa: {  	s1 =	ssub.s32 @!p0 $0x0, s1;
	[sflag:s0] =	ssyncset.done @!p0 $0x0  }
0xab: {  	[sflag:s0] =	ssyncadd.s32 @!p0 s1  }
0xac: {  	[bflag:$0x3] =	sbarrier.arrive $0xFFFF  }
0xad: {  	_ =	shalt  }

// kernel: kernel.8.cloned.1.call-start
scs
__scs_entry_jumppad:
0x0: {  	(pc) =	sbr.rel $0x88, $3  }
0x1: {  	(tag) =	ssettag $0x0;
	lr =	simm.s32 $0x1  }
0x2: {  	[smem:$0x3F99] =	sst lr;
	_ =	strace $0xD0000000  }
0x3: {  	_ = 	snop  }
0x4: {  	_ = 	snop  }
0x5: {  	_ = 	snop  }
0x6: {  	_ = 	snop  }
0x7: {  	_ = 	snop  }
__scs_overlays_trampoline_lowered:
0x8: {  	[smem:$0x3FA8] =	sst s0  }
0x9: {  	[smem:$0x3FA9] =	sst s1  }
0xa: {  	[smem:$0x3FAA] =	sst s2  }
0xb: {  	[smem:$0x3FAB] =	sst s3  }
0xc: {  	[smem:$0x3FAC] =	sst s4  }
0xd: {  	[smem:$0x3FAD] =	sst s5  }
0xe: {  	[smem:$0x3FAE] =	sst s6  }
0xf: {  	[smem:$0x3FAF] =	sst s7  }
0x10: {  	[smem:$0x3FB0] =	sst s8  }
0x11: {  	[smem:$0x3FB1] =	sst s9;
	s0 =	simm.s32 @!p0 $0x0  }
0x12: {  	s1 =	sld [smem:$0x3F97];
	s0 =	simm.s32 @p0 $0x1  }
0x13: {  	[smem:$0x3FB2] =	sst s0;
	s0 =	simm.s32 @!p1 $0x0  }
0x14: {  	s2 =	sld [smem:$0x3F96];
	s0 =	simm.s32 @p1 $0x1  }
0x15: {  	[smem:$0x3FB3] =	sst s0;
	s0 =	simm.s32 @!p2 $0x0  }
0x16: {  	s3 =	sld [smem:$0x3FDB];
	s0 =	simm.s32 @p2 $0x1  }
0x17: {  	s4 =	simm.s32 $0x1BF5;
	[smem:$0x3FB5] =	sst s0  }
0x18: {  	s0 =	sld [smem:$0x3F98];
	_ =	swait.ge [sflag:s4], $0x0  }
0x19: {  	s7 =	sld [smem:$0x3F99]  }
0x1a: {  	s8 =	sadd.s32 $0xFFFFE003, lr  }
0x1b: {  	s9 =	sadd.s32 $0xFFFFFEF7, lr;
	s5 =	simm.s32 $0xFFFFFFFF;
	p2 =	slt.u32 s8, $0xFFFFF086  }
0x1c: {  	p1 =	slt.u32 s9, $0xF7A;
	s5 =	simm.s32 @!p2 $0x0  }
0x1d: {  	s5 =	simm.s32 @p1 $0x1;
	p0 =	seq.s32 s7, s2  }
0x1e: {  	s7 =	smul.u32 @!p0 $0xF7A, s2;
	p2 =	seq.s32 @!p0 s5, $0x0  }
0x1f: {  	s9 =	smul.u32 $0xF7A, s1;
	s8 =	simm.s32 @!p0 $0x1BF5;
	p2 =	por !p2, p0  }
0x20: {  	[sflag:s8] =	ssyncset.s32 @!p0 $0xFFFFF086;
	s6 =	sadd.s32 @!p0 s3, s7;
	s7 =	simm.s32 @!p0 $0x108  }
0x21: {  	s3 =	sadd.s32 s3, s9;
	s6 =	sadd.s32 @!p0 $0x88, s6;
	s7 =	simm.s32 @p2 $0x1082  }
0x22: {  	[simem:s7], [sflag:s8] =	dma.local @!p0 [hbm:s6], $0xF7A  }
0x23: {  	s9 =	sor.u32 $0xD0000000, s2;
	s6 =	simm.s32 $0x108;
	_ =	swait.ge @!p0 [sflag:s8], $0x0  }
0x24: {  	s3 =	sadd.s32 $0x88, s3;
	s6 =	simm.s32 @!p1 $0x1082;
	[sflag:s4] =	ssyncset.s32 $0xFFFFF086  }
0x25: {  	[simem:s6], [sflag:s4] =	dma.local [hbm:s3], $0xF7A  }
0x26: {  	[smem:$0x3F99] =	sst s1;
	(tag) =	ssettag s2;
	_ =	strace s9  }
0x27: {  	s1 =	sld [smem:$0x3FA9]  }
0x28: {  	s2 =	sld [smem:$0x3FAA]  }
0x29: {  	s4 =	sld [smem:$0x3FAC]  }
0x2a: {  	p0 =	seq.s32 s5, $0x0;
	s5 =	sld [smem:$0x3FAD]  }
0x2b: {  	s6 =	sld [smem:$0x3FAE]  }
0x2c: {  	s7 =	sld [smem:$0x3FAF]  }
0x2d: {  	s3 =	simm.s32 $0x108;
	s8 =	sld [smem:$0x3FB0]  }
0x2e: {  	s3 =	simm.s32 @!p0 $0x1082;
	s9 =	sld [smem:$0x3FB1]  }
0x2f: {  	lr =	sadd.s32 s0, s3;
	s0 =	sld [smem:$0x3FA8]  }
0x30: {  	s3 =	sld [smem:$0x3FAB]  }
0x31: {  	[smem:$0x3FB4] =	sst s10  }
0x32: {  	s10 =	sld [smem:$0x3FB2];
	_ =	sdelay $0x3  }
0x33: {  	p0 =	seq.s32 s10, $0x1;
	s10 =	sld [smem:$0x3FB4];
	_ =	sdelay $0x3  }
0x34: {  	[smem:$0x3FB4] =	sst s10  }
0x35: {  	s10 =	sld [smem:$0x3FB3];
	_ =	sdelay $0x3  }
0x36: {  	p1 =	seq.s32 s10, $0x1;
	s10 =	sld [smem:$0x3FB4];
	_ =	sdelay $0x3  }
0x37: {  	[smem:$0x3FB4] =	sst s10  }
0x38: {  	s10 =	sld [smem:$0x3FB5]  }
0x39: {  	_ = 	snop;
	(pc) =	sbr.ind lr, $3  }
0x3a: {  	_ = 	snop  }
0x3b: {  	_ = 	snop  }
0x3c: {  	p2 =	seq.s32 s10, $0x1;
	s10 =	sld [smem:$0x3FB4]  }
0x3d: {  	_ =	shalt  }
0x3e: {  	_ =	shalt  }
0x3f: {  	_ =	shalt  }
0x40: {  	_ =	shalt  }
0x41: {  	_ =	shalt  }
0x42: {  	_ =	shalt  }
0x43: {  	_ =	shalt  }
0x44: {  	_ =	shalt  }
0x45: {  	_ =	shalt  }
0x46: {  	_ =	shalt  }
0x47: {  	_ =	shalt  }
0x48: {  	_ =	shalt  }
0x49: {  	_ =	shalt  }
0x4a: {  	_ =	shalt  }
0x4b: {  	_ =	shalt  }
0x4c: {  	_ =	shalt  }
0x4d: {  	_ =	shalt  }
0x4e: {  	_ =	shalt  }
0x4f: {  	_ =	shalt  }
0x50: {  	_ =	shalt  }
0x51: {  	_ =	shalt  }
0x52: {  	_ =	shalt  }
0x53: {  	_ =	shalt  }
0x54: {  	_ =	shalt  }
0x55: {  	_ =	shalt  }
0x56: {  	_ =	shalt  }
0x57: {  	_ =	shalt  }
0x58: {  	_ =	shalt  }
0x59: {  	_ =	shalt  }
0x5a: {  	_ =	shalt  }
0x5b: {  	_ =	shalt  }
0x5c: {  	_ =	shalt  }
0x5d: {  	_ =	shalt  }
0x5e: {  	_ =	shalt  }
0x5f: {  	_ =	shalt  }
0x60: {  	_ =	shalt  }
0x61: {  	_ =	shalt  }
0x62: {  	_ =	shalt  }
0x63: {  	_ =	shalt  }
0x64: {  	_ =	shalt  }
0x65: {  	_ =	shalt  }
0x66: {  	_ =	shalt  }
0x67: {  	_ =	shalt  }
0x68: {  	_ =	shalt  }
0x69: {  	_ =	shalt  }
0x6a: {  	_ =	shalt  }
0x6b: {  	_ =	shalt  }
0x6c: {  	_ =	shalt  }
0x6d: {  	_ =	shalt  }
0x6e: {  	_ =	shalt  }
0x6f: {  	_ =	shalt  }
0x70: {  	_ =	shalt  }
0x71: {  	_ =	shalt  }
0x72: {  	_ =	shalt  }
0x73: {  	_ =	shalt  }
0x74: {  	_ =	shalt  }
0x75: {  	_ =	shalt  }
0x76: {  	_ =	shalt  }
0x77: {  	_ =	shalt  }
0x78: {  	_ =	shalt  }
0x79: {  	_ =	shalt  }
0x7a: {  	_ =	shalt  }
0x7b: {  	_ =	shalt  }
0x7c: {  	_ =	shalt  }
0x7d: {  	_ =	shalt  }
0x7e: {  	_ =	shalt  }
0x7f: {  	_ =	shalt  }
0x80: {  	_ =	shalt  }
0x81: {  	_ =	shalt  }
0x82: {  	_ =	shalt  }
0x83: {  	_ =	shalt  }
0x84: {  	_ =	shalt  }
0x85: {  	_ =	shalt  }
0x86: {  	_ =	shalt  }
0x87: {  	_ =	shalt  }
.Lfunc_end0:
.L_simem_size_0:
called_computation_lowered:
.L_overlay_start_0:
0x88: {  	s2 =	sld [smem:$0x3FD9]  }
0x89: {  	s3 =	sld [smem:$0x3FFE];
	_ =	sdelay $0x1  }
0x8a: {  	s1 =	srdreg.scid  }
0x8b: {  	s0 =	sand.u32 $0x1, s1  }
0x8c: {  	s17 =	sshll.u32 s0, $0xA;
	s2 =	sadd.s32 s3, s2  }
0x8d: {  	s2 =	sadd.s32 s2, s17  }
0x8e: {  	[smem:$0x3FC0] =	sst s2  }
0x8f: {  	_ = 	snop  }
0x90: {  	s2 =	sld [smem:$0x3FD0];
	(tm) =	ssettm $0x1  }
0x91: {  	s18 =	sld [smem:$0x3FFB];
	_ =	sdelay $0x3  }
0x92: {  	_ =	strace s18  }
0x93: {  	s3 =	sld [smem:$0x3FFC];
	_ =	sdelay $0x3  }
0x94: {  	_ =	strace s3  }
0x95: {  	s3 =	sld [smem:$0x3FFD];
	_ =	sdelay $0x3  }
0x96: {  	_ =	strace s3  }
0x97: {  	_ =	strace $0x8FFFFFFF  }
0x98: {  	s19 =	sld [smem:$0x3FDB];
	_ =	sdelay $0x1  }
0x99: {  	s4 =	simm.s32 $_scs_section_size  }
0x9a: {  	s5 =	simm.s32 $_size__tile_overlayer_lowered;
	s6 =	simm.s32 $_tile_overlayer_lowered  }
0x9b: {  	s22 =	simm.s32 $0x1BFF;
	s21 =	sshll.u32 s6, $0x1;
	s3 =	sadd.s32 s4, s19  }
0x9c: {  	s7 =	simm.s32 $0x0;
	s20 =	sshll.u32 s5, $0x1;
	s5 =	sadd.s32 s21, s3  }
0x9d: {  	[timem:s7], [sflag:s22] =	dma.local [hbm:s5], s20  }
0x9e: {  	_ =	swait.ge [sflag:s22], s20  }
0x9f: {  	s4 =	ssub.s32 $0x0, s20;
	[sflag:s22] =	ssyncset.done $0x0  }
0xa0: {  	[sflag:s22] =	ssyncadd.s32 s4;
	_ =	sdelay $0x1  }
0xa1: {  	s23 =	simm.s32 $0x1B8B  }
0xa2: {  	_ =	swait.ge [sflag:s23], $0x1  }
0xa3: {  	[sflag:s23] =	ssyncset.done $0x0  }
0xa4: {  	s25 =	simm.s32 $0x1B8E;
	s24 =	sld [smem:$0x3FFE];
	[sflag:s23] =	ssyncadd.s32 $0xFFFFFFFF  }
0xa5: {  	s26 =	simm.s32 $execute0_lowered;
	[smem:$0x3FD2] =	sst s25  }
0xa6: {  	s5 =	sshll.u32 s26, $0x1;
	_ =	strace $0x80000046;
	[dreg:$0x1] =	wrdreg $0xFFFFFFFF  }
0xa7: {  	s28 =	simm.s32 $_size_execute0_lowered;
	s3 =	sadd.s32 s3, s5;
	[dreg:$0x0] =	wrdreg $0x0  }
0xa8: {  	s5 =	sshll.u32 s28, $0x1;
	[dreg:$0x2] =	wrdreg s3  }
0xa9: {  	[dreg:$0x3] =	wrdreg s5  }
0xaa: {  	[dreg:$0x4] =	wrdreg $0xC0  }
0xab: {  	_ =	task [dreg:s7], $0x5FFFF  }
0xac: {  	[dreg:$0x1] =	wrdreg $0xFFFFFFFF  }
0xad: {  	[dreg:$0x0] =	wrdreg $0x60  }
0xae: {  	[dreg:$0x2] =	wrdreg s24  }
0xaf: {  	[dreg:$0x3] =	wrdreg s2  }
0xb0: {  	[dreg:$0x4] =	wrdreg $0x0  }
0xb1: {  	[dreg:$0x5] =	wrdreg $0x9  }
0xb2: {  	_ =	task.clear_ibuf [dreg:s7], $0x6FFFF;
	_ =	strace $0x90000046  }
0xb3: {  	s29 =	simm.s32 $0x9;
	_ =	strace $0x80000048  }
0xb4: {  	_ =	swait.ge [sflag:s29], $0x1  }
0xb5: {  	[sflag:s29] =	ssyncadd.s32 $0xFFFFFFFF  }
0xb6: {  	_ =	strace $0x90000048  }
0xb7: {  	_ =	sfence  }
0xb8: {  	s30 =	sld [smem:$0x0];
	_ =	sdelay $0x2  }
0xb9: {  	s31 =	sshll.u32 s1, $0xD;
	s1 =	sshrl.u32 s1, $0x2  }
0xba: {  	s3 =	sand.u32 $0x4000, s31;
	s1 =	sadd.s32 s1, s30  }
0xbb: {  	s0 =	sor.u32 s3, s0;
	s1 =	sshll.u32 s1, $0x11  }
0xbc: {  	s0 =	sor.u32 s1, s0  }
0xbd: {  	s0 =	sadd.s32 $0x8F2B, s0  }
0xbe: {  	[sflag:s0] =	ssyncadd.remote.s32 $0x1  }
0xbf: {  	_ =	sfence.sel $0xFFFF  }
0xc0: {  	[dreg:$0x0] =	wrdreg $0xFFFFFFFF;
	(pc) =	sbr.abs _section_cstart, $3  }
0xc1: {  	[dreg:$0x1] =	wrdreg $0xFFFFFFFF  }
0xc2: {  	_ =	task.clear_ibuf [dreg:s7], $0x2FFFF;
	_ =	strace $0x9FFFFFFF  }
0xc3: {  	(tm) =	ssettm $0x7FFFFFFF  }
tec
execute0_lowered:
.L_overlay_start_1:
0x0: {  	(tag) =	ssettag $0x1  }
0x1: {  	s7 =	rddreg [dreg:$0x0]  }
0x2: {  	s2 =	rddreg [dreg:$0x1]  }
0x3: {  	s3 =	rddreg [dreg:$0x2]  }
0x4: {  	s0 =	rddreg [dreg:$0x3];
	s5 =	srdreg.scid  }
0x5: {  	s1 =	stileid.u32;
	s4 =	simm.s32 $0x0;
	s13 =	simm.s32 $0x280  }
0x6: {  	s14 =	simm.s32 $0x80;
	s15 =	simm.s32 $0x1;
	s16 =	simm.s32 $0x2  }
0x7: {  	s17 =	simm.s32 $0x2900;
	s18 =	simm.s32 $0x10;
	s19 =	simm.s32 $0x2980  }
0x8: {  	s20 =	simm.s32 $0x20;
	s21 =	simm.s32 $0x0;
	s6 =	smul.u32 $0x500, s1  }
0x9: {  	s5 =	sand.u32 $0x1, s5;
	[smem:$0x7FF] =	sst s4;
	s10 =	smul.u32 $0xA00, s1  }
0xa: {  	s29 =	sshll.u32 s1, $0x6;
	s8 =	sshll.u32 s5, $0x7;
	_ =	strace $0x80000047  }
0xb: {  	s24 =	sshll.u32 s5, $0x4;
	s9 =	ssub.s32 $0x2, s5;
	s5 =	sadd.s32 $0x16000, s7  }
0xc: {  	s6 =	sor.u32 s8, s6;
	s25 =	sor.u32 s1, s24;
	s26 =	sshrl.u32 s9, $0x1  }
0xd: {  	s28 =	sshrl.u32 s10, $0x2;
	s6 =	sshrl.u32 s6, $0x3;
	s11 =	smul.u32 $0x2710, s25  }
0xe: {  	s9 =	ssub.s32 s9, s26;
	s31 =	sadd.s32 s28, s3;
	s12 =	sadd.s32 s6, s7  }
0xf: {  	s6 =	sor.u32 $0x1C03, s29;
	s9 =	smax.u32 s9, $0x1;
	s30 =	sshrl.u32 s11, $0x3  }
0x10: {  	s10 =	sshrl.u32 s31, $0x3;
	s8 =	sadd.s32 $0x16200, s12;
	s7 =	sadd.s32 s7, s30  }
0x11: {  	s11 =	simm.s32 $0x3;
	s12 =	simm.s32 $0x2A00;
	s7 =	sadd.s32 $0xC240, s7  }
.LBB2_1:
0x12: {  	[spmem:s10], [sflag:s6] =	dma.local [hbm:s5], $0x50  }
0x13: {  	_ =	swait.ge [sflag:s11], $0x50  }
0x14: {  	[sflag:s11] =	ssyncset.done $0x0  }
0x15: {  	[sflag:s11] =	ssyncadd.s32 $0xFFFFFFB0  }
0x16: {  	[tilespmem:s12], [sflag:$0x3] =	stream.linear.gather [hbm4b:s2+s4], $0x80, $0x38;
	[tilespmem:$0x2A80] =	vst v63  }
0x17: {  	_ =	swait.ge [sflag:s11], $0x80  }
0x18: {  	[sflag:s11] =	ssyncset.done $0x0  }
0x19: {  	[sflag:s11] =	ssyncadd.s32 $0xFFFFFF80  }
0x1a: {  	[tilespmem:s13], [sflag:$0x3] =	stream.linear.gather [hbm4b:s7+s4], $0x2710, $0x38;
	[tilespmem:$0x2A80] =	vst v63  }
0x1b: {  	_ =	swait.ge [sflag:s11], $0x2710  }
0x1c: {  	[sflag:s11] =	ssyncset.done $0x0  }
0x1d: {  	[sflag:s11] =	ssyncadd.s32 $0xFFFFD8F0  }
0x1e: {  	[bflag:$0x0] =	sbarrier.arrive $0xFFFF  }
0x1f: {  	[spmem:s3] =	stream.indirect.scatter.add.f32 [tilespmem:s12], [sflag:$0x1], $0x1, s13, s14, $0xb8;
	[tilespmem:$0x2A80] =	vst v63  }
0x20: {  	s22 =	simm.s32 $0x300  }
0x21: {  	[spmem:s3] =	stream.indirect.scatter.add.f32 [tilespmem:s12], [sflag:$0x2], $0x1, s22, s14, $0xb8;
	[tilespmem:$0x2A80] =	vst v63  }
0x22: {  	_ =	swait.ge [sflag:s15], $0x80  }
0x23: {  	[sflag:s15] =	ssyncset.done $0x0  }
0x24: {  	s31 =	simm.s32 $0x380;
	[sflag:s15] =	ssyncadd.s32 $0xFFFFFF80  }
0x25: {  	[spmem:s3] =	stream.indirect.scatter.add.f32 [tilespmem:s12], [sflag:$0x1], $0x1, s31, s14, $0xb8;
	[tilespmem:$0x2A80] =	vst v63  }
0x26: {  	_ =	swait.ge [sflag:s16], $0x80  }
0x27: {  	s23 =	simm.s32 $0xFFFF7000;
	s22 =	simm.s32 $0xFFFFDB00;
	[sflag:s16] =	ssyncset.done $0x0  }
.LBB2_2:
0x28: {  	s24 =	sadd.s32 $0x2900, s22  }
0x29: {  	[sflag:s16] =	ssyncadd.s32 $0xFFFFFF80;
	s25 =	smov.u32 s23;
	s26 =	sadd.s32 $0x400, s23  }
0x2a: {  	[spmem:s3] =	stream.indirect.scatter.add.f32 [tilespmem:s12], [sflag:$0x2], $0x1, s24, s14, $0xb8;
	[tilespmem:$0x2A80] =	vst v63  }
0x2b: {  	p0 =	sne.s32 s23, $0xFFFFFC00;
	_ =	swait.ge [sflag:s15], $0x80  }
.Ltmp0:
0x2c: {  	[sflag:s15] =	ssyncset.done $0x0;
	(pc) =	sbr.rel @p0 .LBB2_2-.Ltmp0, $4  }
0x2d: {  	s22 =	sadd.s32 $0x2980, s22;
	[sflag:s15] =	ssyncadd.s32 $0xFFFFFF80  }
0x2e: {  	[spmem:s3] =	stream.indirect.scatter.add.f32 [tilespmem:s12], [sflag:$0x1], $0x1, s22, s14, $0xb8;
	[tilespmem:$0x2A80] =	vst v63  }
0x2f: {  	_ =	swait.ge [sflag:s16], $0x80  }
0x30: {  	s23 =	smov.u32 s26;
	s22 =	sshra.s32 s25, $0x2;
	[sflag:s16] =	ssyncset.done $0x0  }
0x31: {  	s23 =	sadd.s32 $0x2900, s22;
	[sflag:s16] =	ssyncadd.s32 $0xFFFFFF80  }
0x32: {  	[spmem:s3] =	stream.indirect.scatter.add.f32 [tilespmem:s12], [sflag:$0x2], $0x1, s23, s14, $0xb8;
	[tilespmem:$0x2A80] =	vst v63  }
0x33: {  	_ =	swait.ge [sflag:s15], $0x80  }
0x34: {  	[sflag:s15] =	ssyncset.done $0x0  }
0x35: {  	s31 =	sadd.s32 $0x2980, s22;
	[sflag:s15] =	ssyncadd.s32 $0xFFFFFF80  }
0x36: {  	[spmem:s3] =	stream.indirect.scatter.add.f32 [tilespmem:s12], [sflag:$0x1], $0x1, s31, s14, $0xb8;
	[tilespmem:$0x2A80] =	vst v63  }
0x37: {  	_ =	swait.ge [sflag:s16], $0x80  }
0x38: {  	[sflag:s16] =	ssyncset.done $0x0  }
0x39: {  	[sflag:s16] =	ssyncadd.s32 $0xFFFFFF80  }
0x3a: {  	[spmem:s3] =	stream.indirect.scatter.add.f32 [tilespmem:s12], [sflag:$0x2], $0x1, s17, s14, $0xb8;
	[tilespmem:$0x2A80] =	vst v63  }
0x3b: {  	_ =	swait.ge [sflag:s15], $0x80  }
0x3c: {  	[sflag:s15] =	ssyncset.done $0x0  }
0x3d: {  	[sflag:s15] =	ssyncadd.s32 $0xFFFFFF80  }
0x3e: {  	_ =	swait.ge [sflag:s16], $0x80  }
0x3f: {  	[sflag:s16] =	ssyncset.done $0x0  }
0x40: {  	[sflag:s16] =	ssyncadd.s32 $0xFFFFFF80  }
0x41: {  	[spmem:s3] =	stream.indirect.scatter.add.f32 [tilespmem:s12], [sflag:$0x3], $0x1, s19, s18, $0xb8;
	[tilespmem:$0x2A80] =	vst v63  }
0x42: {  	_ =	swait.ge [sflag:s11], $0x10  }
0x43: {  	s21 =	sadd.s32 $0x1, s21;
	[sflag:s11] =	ssyncset.done $0x0  }
0x44: {  	p0 =	sne.s32 s21, s9;
	[sflag:s11] =	ssyncadd.s32 $0xFFFFFFF0  }
.Ltmp1:
0x45: {  	[bflag:$0x0] =	sbarrier.arrive $0xFFFF;
	(pc) =	sbr.rel @p0 .LBB2_1-.Ltmp1, $4  }
0x46: {  	[hbm:s8@s20], [sflag:s6] =	dma.strided [spmem:s10@s18], $0x50, s15, $0x10   }
0x47: {  	_ =	swait.ge [sflag:s11], $0x50  }
0x48: {  	[sflag:s11] =	ssyncset.done $0x0  }
0x49: {  	[sflag:s11] =	ssyncadd.s32 $0xFFFFFFB0  }
0x4a: {  	_ =	sfence.sel $0x180000  }
0x4b: {  	[bflag:$0x0] =	sbarrier.arrive $0xFFFF  }
0x4c: {  	p0 =	sne.s32 s1, $0x0;
	_ =	strace $0x90000047  }
0x4d: {  	s0 =	sadd.s32 @!p0 $0x100000, s0;
	[bflag:$0x2] =	sbarrier.arrive $0xFFFF  }
0x4e: {  	[sflag:s0] =	ssyncadd.tile.s32 @!p0 $0x1;
	_ =	shalt  }
.Lfunc_end2:
_tile_overlayer_lowered:
.L_overlay_start_2:
0x4f: {  	(tag) =	ssettag $0x2  }
0x50: {  	s0 =	rddreg [dreg:$0x0];
	s2 =	stileid.u32  }
0x51: {  	s1 =	rddreg [dreg:$0x1];
	p0 =	sne.s32 s2, $0x0  }
0x52: {  	s3 =	rddreg [dreg:$0x2];
	[bflag:$0x3] =	sbarrier.arrive $0xFFFF;
	s2 =	simm.s32 @!p0 $0x1C03  }
0x53: {  	[timem:s3], [sflag:s2] =	dma.local @!p0 [hbm:s0], s1  }
0x54: {  	s0 =	simm.s32 @!p0 $0x3  }
0x55: {  	_ =	swait.ge @!p0 [sflag:s0], s1  }
0x56: {  	s1 =	ssub.s32 @!p0 $0x0, s1;
	[sflag:s0] =	ssyncset.done @!p0 $0x0  }
0x57: {  	[sflag:s0] =	ssyncadd.s32 @!p0 s1  }
0x58: {  	[bflag:$0x3] =	sbarrier.arrive $0xFFFF  }
0x59: {  	_ =	shalt  }

</sc_bundles>
